<compile_context>
chip_gen: v7x
topology: tpu7x:2x2x1
jax: 0.10.2.dev20260603
libtpu: 0.0.44.dev20260713+nightly
codegen_flags: <defaults>
</compile_context>

<pallas_src>
import jax
import jax.numpy as jnp
from jax import lax
from jax.experimental import pallas as pl
from jax.experimental.pallas import tpu as pltpu
from jax.experimental.pallas import tpu_sc as plsc

_N = 20000
_T = 100
_TP = 112
_B = 8
_V0 = 0.1
_V1 = 0.2
_THR = 0.5

_NC = 2
_NS = 16
_NW = _NC * _NS
_BH = 8
_WPB = _NW // _BH
_CHUNK = 5000
_ITERS = (_CHUNK + 15) // 16
_CPAD = _ITERS * 16


def _tc_body(pri_ref, gt_ref, mt_ref, bp_ref):
    pcx = pri_ref[0:1, :]
    pcy = pri_ref[1:2, :]
    pw = pri_ref[2:3, :]
    ph = pri_ref[3:4, :]
    px1 = pcx - pw * 0.5
    py1 = pcy - ph * 0.5
    px2 = pcx + pw * 0.5
    py2 = pcy + ph * 0.5
    parea = pw * ph

    gx1 = gt_ref[0, :, 0:1]
    gy1 = gt_ref[0, :, 1:2]
    gx2 = gt_ref[0, :, 2:3]
    gy2 = gt_ref[0, :, 3:4]
    garea = (gx2 - gx1) * (gy2 - gy1)

    ix1 = jnp.maximum(px1, gx1)
    iy1 = jnp.maximum(py1, gy1)
    ix2 = jnp.minimum(px2, gx2)
    iy2 = jnp.minimum(py2, gy2)
    iw = jnp.maximum(ix2 - ix1, 0.0)
    ih = jnp.maximum(iy2 - iy1, 0.0)
    inter = iw * ih
    iou = inter / (parea + garea - inter)

    trow = lax.broadcasted_iota(jnp.int32, (_T, _N), 0)
    ncol = lax.broadcasted_iota(jnp.int32, (_T, _N), 1)

    mv = jnp.max(iou, axis=0, keepdims=True)
    mt = jnp.min(jnp.where(iou == mv, trow, _T), axis=0, keepdims=True)

    bv = jnp.max(iou, axis=1, keepdims=True)
    bp = jnp.min(jnp.where(iou == bv, ncol, _N), axis=1, keepdims=True)

    mt_ref[0, 0:1, :] = mt | ((mv < _THR).astype(jnp.int32) << 16)
    bp_ref[0] = jnp.concatenate(
        [bp, jnp.full((_TP - _T, 1), _N, jnp.int32)], axis=0)


def _sc_body(mt_hbm, bp_hbm, gt_hbm, lab_hbm,
             px_hbm, py_hbm, pw_hbm, ph_hbm,
             loc_hbm, labout_hbm,
             mt_v, labout_v,
             px_v, py_v, pw_v, ph_v,
             bp_v, gt_v, lab_v,
             lx_v, ly_v, lw_v, lh_v):
    wid = lax.axis_index("s") * _NC + lax.axis_index("c")
    b = wid // _WPB
    part = wid % _WPB
    base = jnp.minimum(part * _CHUNK, _N - _CHUNK)
    off = b * _N + base

    pltpu.sync_copy(mt_hbm.at[pl.ds(off, _CHUNK)], mt_v.at[pl.ds(0, _CHUNK)])
    pltpu.sync_copy(px_hbm.at[pl.ds(base, _CHUNK)], px_v.at[pl.ds(0, _CHUNK)])
    pltpu.sync_copy(py_hbm.at[pl.ds(base, _CHUNK)], py_v.at[pl.ds(0, _CHUNK)])
    pltpu.sync_copy(pw_hbm.at[pl.ds(base, _CHUNK)], pw_v.at[pl.ds(0, _CHUNK)])
    pltpu.sync_copy(ph_hbm.at[pl.ds(base, _CHUNK)], ph_v.at[pl.ds(0, _CHUNK)])
    toff = b * _TP
    pltpu.sync_copy(bp_hbm.at[pl.ds(toff, _TP)], bp_v)
    pltpu.sync_copy(gt_hbm.at[pl.ds(toff * 4, _TP * 4)], gt_v)
    pltpu.sync_copy(lab_hbm.at[pl.ds(toff, _TP)], lab_v)

    lanes = lax.broadcasted_iota(jnp.int32, (16,), 0)

    for j in range(_TP // 16):
        bpv = bp_v[pl.ds(j * 16, 16)]
        tvec = lanes + (16 * j)
        local = bpv - base
        valid = (tvec < _T) & (local >= 0) & (local < _CHUNK)
        localc = jnp.clip(local, 0, _CHUNK - 1)
        for k in range(16):
            m = valid & (lanes == k)
            plsc.store_scatter(mt_v, [localc], tvec, mask=m)

    def _enc(i, c):
        o = i * 16
        packed = mt_v[pl.ds(o, 16)]
        negv = packed >> 16
        mtv = packed & 0xFFFF
        idx = jnp.clip(mtv, 0, _TP - 1)
        labv = plsc.load_gather(lab_v, [idx])
        idx4 = idx << 2
        x1 = plsc.load_gather(gt_v, [idx4])
        y1 = plsc.load_gather(gt_v, [idx4 + 1])
        x2 = plsc.load_gather(gt_v, [idx4 + 2])
        y2 = plsc.load_gather(gt_v, [idx4 + 3])
        bcx = (x1 + x2) * 0.5
        bcy = (y1 + y2) * 0.5
        bw = x2 - x1
        bh = y2 - y1
        pxv = px_v[pl.ds(o, 16)]
        pyv = py_v[pl.ds(o, 16)]
        pwv = pw_v[pl.ds(o, 16)]
        phv = ph_v[pl.ds(o, 16)]

        def _ln(r):
            bits = plsc.bitcast(r, jnp.int32)
            e = (bits >> 23) - 127
            m = plsc.bitcast((bits & 0x007FFFFF) | 0x3F800000, jnp.float32)
            big = m > 1.4142135623730951
            m = jnp.where(big, m * 0.5, m)
            ef = e.astype(jnp.float32) + jnp.where(big, 1.0, 0.0)
            s = (m - 1.0) / (m + 1.0)
            s2 = s * s
            return ef * 0.6931471805599453 + s * (2.0 + s2 * (0.66666667 + s2 * 0.4))

        lx_v[pl.ds(o, 16)] = (bcx - pxv) / pwv * (1.0 / _V0)
        ly_v[pl.ds(o, 16)] = (bcy - pyv) / phv * (1.0 / _V0)
        lw_v[pl.ds(o, 16)] = _ln(bw / pwv) * (1.0 / _V1)
        lh_v[pl.ds(o, 16)] = _ln(bh / phv) * (1.0 / _V1)
        labout_v[pl.ds(o, 16)] = jnp.where(negv != 0, 0, labv)
        return c

    lax.fori_loop(0, _ITERS, _enc, 0)

    locoff = (b * 4) * _N + base
    pltpu.sync_copy(lx_v.at[pl.ds(0, _CHUNK)], loc_hbm.at[pl.ds(locoff, _CHUNK)])
    pltpu.sync_copy(ly_v.at[pl.ds(0, _CHUNK)],
                    loc_hbm.at[pl.ds(locoff + _N, _CHUNK)])
    pltpu.sync_copy(lw_v.at[pl.ds(0, _CHUNK)],
                    loc_hbm.at[pl.ds(locoff + 2 * _N, _CHUNK)])
    pltpu.sync_copy(lh_v.at[pl.ds(0, _CHUNK)],
                    loc_hbm.at[pl.ds(locoff + 3 * _N, _CHUNK)])
    pltpu.sync_copy(labout_v.at[pl.ds(0, _CHUNK)],
                    labout_hbm.at[pl.ds(off, _CHUNK)])


def kernel(priors_xywha, gt_boxes, gt_labels):
    priors_t = priors_xywha.T
    tc = pl.pallas_call(
        _tc_body,
        grid=(_BH,),
        in_specs=[
            pl.BlockSpec((4, _N), lambda b: (0, 0)),
            pl.BlockSpec((1, _T, 4), lambda b: (b, 0, 0)),
        ],
        out_specs=[
            pl.BlockSpec((1, 1, _N), lambda b: (b, 0, 0)),
            pl.BlockSpec((1, _TP, 1), lambda b: (b, 0, 0)),
        ],
        out_shape=[
            jax.ShapeDtypeStruct((_BH, 1, _N), jnp.int32),
            jax.ShapeDtypeStruct((_BH, _TP, 1), jnp.int32),
        ],
    )

    mesh = plsc.VectorSubcoreMesh(core_axis_name="c", subcore_axis_name="s")
    sc = pl.kernel(
        _sc_body,
        out_type=[
            jax.ShapeDtypeStruct((_BH * 4 * _N,), jnp.float32),
            jax.ShapeDtypeStruct((_BH * _N,), jnp.int32),
        ],
        mesh=mesh,
        compiler_params=pltpu.CompilerParams(needs_layout_passes=False),
        scratch_types=[
            pltpu.VMEM((_CPAD,), jnp.int32),
            pltpu.VMEM((_CPAD,), jnp.int32),
            pltpu.VMEM((_CPAD,), jnp.float32),
            pltpu.VMEM((_CPAD,), jnp.float32),
            pltpu.VMEM((_CPAD,), jnp.float32),
            pltpu.VMEM((_CPAD,), jnp.float32),
            pltpu.VMEM((_TP,), jnp.int32),
            pltpu.VMEM((_TP * 4,), jnp.float32),
            pltpu.VMEM((_TP,), jnp.int32),
            pltpu.VMEM((_CPAD,), jnp.float32),
            pltpu.VMEM((_CPAD,), jnp.float32),
            pltpu.VMEM((_CPAD,), jnp.float32),
            pltpu.VMEM((_CPAD,), jnp.float32),
        ],
    )

    gtp = jnp.pad(gt_boxes, ((0, 0), (0, _TP - _T), (0, 0)))
    labp = jnp.pad(gt_labels.astype(jnp.int32), ((0, 0), (0, _TP - _T)))

    locs = []
    labs = []
    for h in range(_B // _BH):
        s = h * _BH
        mt3, bp3 = tc(priors_t, gt_boxes[s:s + _BH])
        loc_flat, lab_flat = sc(
            mt3.reshape(_BH * _N), bp3.reshape(_BH * _TP),
            gtp[s:s + _BH].reshape(_BH * _TP * 4),
            labp[s:s + _BH].reshape(_BH * _TP),
            priors_t[0], priors_t[1], priors_t[2], priors_t[3],
        )
        locs.append(loc_flat.reshape(_BH, 4, _N))
        labs.append(lab_flat.reshape(_BH, _N))
    loc = jnp.transpose(jnp.concatenate(locs, axis=0), (0, 2, 1))
    return loc, jnp.concatenate(labs, axis=0)

# --- scband reference (transcript-rebuilt; emitter-appended) ---
"""Pipeline reference for scband-prior-matcher-41618233098698 (READ-ONLY COPY).

The authoritative reference and input builder live on the scoring server;
editing this copy changes nothing except your own understanding.
"""

import jax, jax.numpy as jnp
import numpy as np

VARIANCES = (0.1, 0.2)
IOU_THRESHOLD = 0.5
NUM_PRIORS = 20000
BATCH = 8
NUM_GT = 100


def xywha_to_xyxy(b):
    return jnp.concatenate([b[..., :2] - b[..., 2:] / 2.0, b[..., :2] + b[..., 2:] / 2.0], axis=-1)


def xyxy_to_xywha(b):
    return jnp.concatenate([(b[..., :2] + b[..., 2:]) / 2.0, b[..., 2:] - b[..., :2]], axis=-1)


def box_iou(a, b):
    # a: [T,4] xyxy, b: [N,4] xyxy -> [T,N]
    lt = jnp.maximum(a[:, None, :2], b[None, :, :2])
    rb = jnp.minimum(a[:, None, 2:], b[None, :, 2:])
    wh = jnp.clip(rb - lt, 0.0)
    inter = wh[..., 0] * wh[..., 1]
    area_a = (a[:, 2] - a[:, 0]) * (a[:, 3] - a[:, 1])
    area_b = (b[:, 2] - b[:, 0]) * (b[:, 3] - b[:, 1])
    return inter / (area_a[:, None] + area_b[None, :] - inter)


def _assign_and_encode(priors_xywha, priors_xyxy, boxes, labels):
    # boxes: [T,4] xyxy, labels: [T]
    iou = box_iou(boxes, priors_xyxy)                     # [T, N]
    matched_vals = jnp.max(iou, axis=0)                   # [N]
    matches = jnp.argmax(iou, axis=0)                     # [N]
    best_prior_per_target = jnp.argmax(iou, axis=1)       # [T]
    T = boxes.shape[0]
    # force each gt's best prior to match that gt (scatter-overwrite)
    matches = matches.at[best_prior_per_target].set(jnp.arange(T))
    # index_fill_(0, best_prior_per_target, 2)
    matched_vals = matched_vals.at[best_prior_per_target].set(2.0)
    lab = labels[matches]                                 # gather
    lab = jnp.where(matched_vals < IOU_THRESHOLD, 0, lab)
    bx = boxes[matches]                                   # gather [N,4]
    bxw = xyxy_to_xywha(bx)
    loc = jnp.concatenate([
        (bxw[..., :2] - priors_xywha[..., :2]) / priors_xywha[..., 2:] / VARIANCES[0],
        jnp.log(bxw[..., 2:] / priors_xywha[..., 2:]) / VARIANCES[1],
    ], axis=-1)
    return loc, lab


def setup_inputs(seed: int = 0) -> dict:
    key = jax.random.key(seed)
    k1, k2, k3, k4, k5 = jax.random.split(key, 5)
    pc = jax.random.uniform(k1, (NUM_PRIORS, 2), minval=0.05, maxval=0.95)
    pwh = jax.random.uniform(k2, (NUM_PRIORS, 2), minval=0.02, maxval=0.30)
    priors_xywha = jnp.concatenate([pc, pwh], axis=-1).astype(jnp.float32)
    gc = jax.random.uniform(k3, (BATCH, NUM_GT, 2), minval=0.10, maxval=0.90)
    gwh = jax.random.uniform(k4, (BATCH, NUM_GT, 2), minval=0.02, maxval=0.25)
    gt_boxes = jnp.concatenate([gc - gwh / 2.0, gc + gwh / 2.0], axis=-1).astype(jnp.float32)
    gt_labels = jax.random.randint(k5, (BATCH, NUM_GT), 1, 81).astype(jnp.int64)
    return {"priors_xywha": priors_xywha, "gt_boxes": gt_boxes, "gt_labels": gt_labels}


def reference(priors_xywha, gt_boxes, gt_labels):
    priors_xyxy = xywha_to_xyxy(priors_xywha)
    loc, lab = jax.vmap(lambda b, l: _assign_and_encode(priors_xywha, priors_xyxy, b, l))(gt_boxes, gt_labels)
    return loc, lab

if __name__ == "__main__":
    import jax
    _d = setup_inputs()
    print(jax.jit(kernel)(*tuple(_d.values())))

</pallas_src>

<mosaic_0001>
#map = affine_map<(d0, d1) -> (0)>
module attributes {stable_mosaic.version = 14 : i64} {
  func.func @_sc_body(%arg0: i32, %arg1: i32, %arg2: memref<160000xi32, #tpu.memory_space<hbm>>, %arg3: memref<896xi32, #tpu.memory_space<hbm>>, %arg4: memref<3584xf32, #tpu.memory_space<hbm>>, %arg5: memref<896xi32, #tpu.memory_space<hbm>>, %arg6: memref<20000xf32, #tpu.memory_space<hbm>>, %arg7: memref<20000xf32, #tpu.memory_space<hbm>>, %arg8: memref<20000xf32, #tpu.memory_space<hbm>>, %arg9: memref<20000xf32, #tpu.memory_space<hbm>>, %arg10: memref<640000xf32, #tpu.memory_space<hbm>>, %arg11: memref<160000xi32, #tpu.memory_space<hbm>>, %arg12: memref<5008xi32, #tpu.memory_space<vmem>>, %arg13: memref<5008xi32, #tpu.memory_space<vmem>>, %arg14: memref<5008xf32, #tpu.memory_space<vmem>>, %arg15: memref<5008xf32, #tpu.memory_space<vmem>>, %arg16: memref<5008xf32, #tpu.memory_space<vmem>>, %arg17: memref<5008xf32, #tpu.memory_space<vmem>>, %arg18: memref<112xi32, #tpu.memory_space<vmem>>, %arg19: memref<448xf32, #tpu.memory_space<vmem>>, %arg20: memref<112xi32, #tpu.memory_space<vmem>>, %arg21: memref<5008xf32, #tpu.memory_space<vmem>>, %arg22: memref<5008xf32, #tpu.memory_space<vmem>>, %arg23: memref<5008xf32, #tpu.memory_space<vmem>>, %arg24: memref<5008xf32, #tpu.memory_space<vmem>>) attributes {dimension_semantics = [#tpu.dimension_semantics<core_parallel>, #tpu.dimension_semantics<subcore_parallel>], iteration_bounds = array<i64: 2, 16>, scalar_prefetch = 0 : i64, scratch_operands = 13 : i64, tpu.core_type = #tpu.core_type<sc_vector_subcore>, window_params = [{transform_indices = #map}, {transform_indices = #map}, {transform_indices = #map}, {transform_indices = #map}, {transform_indices = #map}, {transform_indices = #map}, {transform_indices = #map}, {transform_indices = #map}, {transform_indices = #map}, {transform_indices = #map}]} {
    %mul3A = arith.constant 2 : i32
    %mul3A_0 = arith.muli %arg1, %mul3A : i32
    %add3A = arith.addi %mul3A_0, %arg0 : i32
    %jit3A = arith.constant 4 : i32
    %div3A = arith.divsi %add3A, %jit3A : i32
    %sign3A = arith.constant 0 : i32
    %sign3A_1 = arith.cmpi sgt, %add3A, %sign3A : i32
    %sign3A_2 = arith.extui %sign3A_1 : i1 to i32
    %sign3A_3 = arith.constant 0 : i32
    %sign3A_4 = arith.cmpi slt, %add3A, %sign3A_3 : i32
    %sign3A_5 = arith.extui %sign3A_4 : i1 to i32
    %sign3A_6 = arith.subi %sign3A_2, %sign3A_5 : i32
    %sign3A_7 = arith.constant 0 : i32
    %sign3A_8 = arith.cmpi sgt, %jit3A, %sign3A_7 : i32
    %sign3A_9 = arith.extui %sign3A_8 : i1 to i32
    %sign3A_10 = arith.constant 0 : i32
    %sign3A_11 = arith.cmpi slt, %jit3A, %sign3A_10 : i32
    %sign3A_12 = arith.extui %sign3A_11 : i1 to i32
    %sign3A_13 = arith.subi %sign3A_9, %sign3A_12 : i32
    %ne3A = arith.cmpi ne, %sign3A_6, %sign3A_13 : i32
    %rem3A = arith.remsi %add3A, %jit3A : i32
    %ne3A_14 = arith.constant 0 : i32
    %ne3A_15 = arith.cmpi ne, %rem3A, %ne3A_14 : i32
    %and3A = arith.andi %ne3A, %ne3A_15 : i1
    %sub3A = arith.constant 1 : i32
    %sub3A_16 = arith.subi %div3A, %sub3A : i32
    %select_n3A = arith.select %and3A, %sub3A_16, %div3A : i32
    %jit3A_17 = arith.constant 4 : i32
    %eq3A = arith.constant 0 : i32
    %eq3A_18 = arith.cmpi eq, %jit3A_17, %eq3A : i32
    %jit3A_19 = arith.constant 1 : i32
    %select_n3A_20 = arith.select %eq3A_18, %jit3A_19, %jit3A_17 : i32
    %rem3A_21 = arith.remsi %add3A, %select_n3A_20 : i32
    %ne3A_22 = arith.constant 0 : i32
    %ne3A_23 = arith.cmpi ne, %rem3A_21, %ne3A_22 : i32
    %lt3A = arith.constant 0 : i32
    %lt3A_24 = arith.cmpi slt, %rem3A_21, %lt3A : i32
    %lt3A_25 = arith.constant 0 : i32
    %lt3A_26 = arith.cmpi slt, %select_n3A_20, %lt3A_25 : i32
    %ne3A_27 = arith.xori %lt3A_24, %lt3A_26 : i1
    %and3A_28 = arith.andi %ne3A_27, %ne3A_23 : i1
    %add3A_29 = arith.addi %rem3A_21, %select_n3A_20 : i32
    %select_n3A_30 = arith.select %and3A_28, %add3A_29, %rem3A_21 : i32
    %mul3A_31 = arith.constant 5000 : i32
    %mul3A_32 = arith.muli %select_n3A_30, %mul3A_31 : i32
    %min3A = arith.constant 15000 : i32
    %min3A_33 = arith.minsi %mul3A_32, %min3A : i32
    %mul3A_34 = arith.constant 20000 : i32
    %mul3A_35 = arith.muli %select_n3A, %mul3A_34 : i32
    %add3A_36 = arith.addi %mul3A_35, %min3A_33 : i32
    "tpu.region"() ({
      %run_scoped3A = tpu.sem_alloc : memref<!tpu.dma_semaphore, #tpu.memory_space<semaphore_mem>>
      %dma_start3A = arith.constant 0 : i32
      %dma_start3A_670 = tpu.memref_slice %arg12[%dma_start3A] : memref<5008xi32, #tpu.memory_space<vmem>> -> memref<5000xi32, #tpu.memory_space<vmem>>
      %dma_start3A_671 = tpu.memref_slice %arg2[%add3A_36] : memref<160000xi32, #tpu.memory_space<hbm>> -> memref<5000xi32, #tpu.memory_space<hbm>>
      %dma_start3A_672 = arith.constant 0 : i32
      %dma_start3A_673 = tpu.memref_slice %arg12[%dma_start3A_672] : memref<5008xi32, #tpu.memory_space<vmem>> -> memref<5000xi32, #tpu.memory_space<vmem>>
      %dma_start3A_674 = tpu.memref_slice %arg2[%add3A_36] : memref<160000xi32, #tpu.memory_space<hbm>> -> memref<5000xi32, #tpu.memory_space<hbm>>
      tpu.enqueue_dma source(%dma_start3A_674 : memref<5000xi32, #tpu.memory_space<hbm>>) target(%dma_start3A_673 : memref<5000xi32, #tpu.memory_space<vmem>>) target_semaphore(%run_scoped3A : memref<!tpu.dma_semaphore, #tpu.memory_space<semaphore_mem>>)
      %dma_wait3A = arith.constant 0 : i32
      %dma_wait3A_675 = tpu.memref_slice %arg12[%dma_wait3A] : memref<5008xi32, #tpu.memory_space<vmem>> -> memref<5000xi32, #tpu.memory_space<vmem>>
      %dma_wait3A_676 = tpu.memref_slice %arg2[%add3A_36] : memref<160000xi32, #tpu.memory_space<hbm>> -> memref<5000xi32, #tpu.memory_space<hbm>>
      %dma_wait3A_677 = arith.constant 0 : i32
      %dma_wait3A_678 = tpu.memref_slice %arg12[%dma_wait3A_677] : memref<5008xi32, #tpu.memory_space<vmem>> -> memref<5000xi32, #tpu.memory_space<vmem>>
      %dma_wait3A_679 = tpu.memref_slice %arg2[%add3A_36] : memref<160000xi32, #tpu.memory_space<hbm>> -> memref<5000xi32, #tpu.memory_space<hbm>>
      tpu.wait_dma2 semaphore(%run_scoped3A : memref<!tpu.dma_semaphore, #tpu.memory_space<semaphore_mem>>) src(%dma_wait3A_679 : memref<5000xi32, #tpu.memory_space<hbm>>) dst(%dma_wait3A_678 : memref<5000xi32, #tpu.memory_space<vmem>>)
      tpu.yield
    }) : () -> ()
    "tpu.region"() ({
      %run_scoped3A = tpu.sem_alloc : memref<!tpu.dma_semaphore, #tpu.memory_space<semaphore_mem>>
      %dma_start3A = arith.constant 0 : i32
      %dma_start3A_670 = tpu.memref_slice %arg14[%dma_start3A] : memref<5008xf32, #tpu.memory_space<vmem>> -> memref<5000xf32, #tpu.memory_space<vmem>>
      %dma_start3A_671 = tpu.memref_slice %arg6[%min3A_33] : memref<20000xf32, #tpu.memory_space<hbm>> -> memref<5000xf32, #tpu.memory_space<hbm>>
      %dma_start3A_672 = arith.constant 0 : i32
      %dma_start3A_673 = tpu.memref_slice %arg14[%dma_start3A_672] : memref<5008xf32, #tpu.memory_space<vmem>> -> memref<5000xf32, #tpu.memory_space<vmem>>
      %dma_start3A_674 = tpu.memref_slice %arg6[%min3A_33] : memref<20000xf32, #tpu.memory_space<hbm>> -> memref<5000xf32, #tpu.memory_space<hbm>>
      tpu.enqueue_dma source(%dma_start3A_674 : memref<5000xf32, #tpu.memory_space<hbm>>) target(%dma_start3A_673 : memref<5000xf32, #tpu.memory_space<vmem>>) target_semaphore(%run_scoped3A : memref<!tpu.dma_semaphore, #tpu.memory_space<semaphore_mem>>)
      %dma_wait3A = arith.constant 0 : i32
      %dma_wait3A_675 = tpu.memref_slice %arg14[%dma_wait3A] : memref<5008xf32, #tpu.memory_space<vmem>> -> memref<5000xf32, #tpu.memory_space<vmem>>
      %dma_wait3A_676 = tpu.memref_slice %arg6[%min3A_33] : memref<20000xf32, #tpu.memory_space<hbm>> -> memref<5000xf32, #tpu.memory_space<hbm>>
      %dma_wait3A_677 = arith.constant 0 : i32
      %dma_wait3A_678 = tpu.memref_slice %arg14[%dma_wait3A_677] : memref<5008xf32, #tpu.memory_space<vmem>> -> memref<5000xf32, #tpu.memory_space<vmem>>
      %dma_wait3A_679 = tpu.memref_slice %arg6[%min3A_33] : memref<20000xf32, #tpu.memory_space<hbm>> -> memref<5000xf32, #tpu.memory_space<hbm>>
      tpu.wait_dma2 semaphore(%run_scoped3A : memref<!tpu.dma_semaphore, #tpu.memory_space<semaphore_mem>>) src(%dma_wait3A_679 : memref<5000xf32, #tpu.memory_space<hbm>>) dst(%dma_wait3A_678 : memref<5000xf32, #tpu.memory_space<vmem>>)
      tpu.yield
    }) : () -> ()
    "tpu.region"() ({
      %run_scoped3A = tpu.sem_alloc : memref<!tpu.dma_semaphore, #tpu.memory_space<semaphore_mem>>
      %dma_start3A = arith.constant 0 : i32
      %dma_start3A_670 = tpu.memref_slice %arg15[%dma_start3A] : memref<5008xf32, #tpu.memory_space<vmem>> -> memref<5000xf32, #tpu.memory_space<vmem>>
      %dma_start3A_671 = tpu.memref_slice %arg7[%min3A_33] : memref<20000xf32, #tpu.memory_space<hbm>> -> memref<5000xf32, #tpu.memory_space<hbm>>
      %dma_start3A_672 = arith.constant 0 : i32
      %dma_start3A_673 = tpu.memref_slice %arg15[%dma_start3A_672] : memref<5008xf32, #tpu.memory_space<vmem>> -> memref<5000xf32, #tpu.memory_space<vmem>>
      %dma_start3A_674 = tpu.memref_slice %arg7[%min3A_33] : memref<20000xf32, #tpu.memory_space<hbm>> -> memref<5000xf32, #tpu.memory_space<hbm>>
      tpu.enqueue_dma source(%dma_start3A_674 : memref<5000xf32, #tpu.memory_space<hbm>>) target(%dma_start3A_673 : memref<5000xf32, #tpu.memory_space<vmem>>) target_semaphore(%run_scoped3A : memref<!tpu.dma_semaphore, #tpu.memory_space<semaphore_mem>>)
      %dma_wait3A = arith.constant 0 : i32
      %dma_wait3A_675 = tpu.memref_slice %arg15[%dma_wait3A] : memref<5008xf32, #tpu.memory_space<vmem>> -> memref<5000xf32, #tpu.memory_space<vmem>>
      %dma_wait3A_676 = tpu.memref_slice %arg7[%min3A_33] : memref<20000xf32, #tpu.memory_space<hbm>> -> memref<5000xf32, #tpu.memory_space<hbm>>
      %dma_wait3A_677 = arith.constant 0 : i32
      %dma_wait3A_678 = tpu.memref_slice %arg15[%dma_wait3A_677] : memref<5008xf32, #tpu.memory_space<vmem>> -> memref<5000xf32, #tpu.memory_space<vmem>>
      %dma_wait3A_679 = tpu.memref_slice %arg7[%min3A_33] : memref<20000xf32, #tpu.memory_space<hbm>> -> memref<5000xf32, #tpu.memory_space<hbm>>
      tpu.wait_dma2 semaphore(%run_scoped3A : memref<!tpu.dma_semaphore, #tpu.memory_space<semaphore_mem>>) src(%dma_wait3A_679 : memref<5000xf32, #tpu.memory_space<hbm>>) dst(%dma_wait3A_678 : memref<5000xf32, #tpu.memory_space<vmem>>)
      tpu.yield
    }) : () -> ()
    "tpu.region"() ({
      %run_scoped3A = tpu.sem_alloc : memref<!tpu.dma_semaphore, #tpu.memory_space<semaphore_mem>>
      %dma_start3A = arith.constant 0 : i32
      %dma_start3A_670 = tpu.memref_slice %arg16[%dma_start3A] : memref<5008xf32, #tpu.memory_space<vmem>> -> memref<5000xf32, #tpu.memory_space<vmem>>
      %dma_start3A_671 = tpu.memref_slice %arg8[%min3A_33] : memref<20000xf32, #tpu.memory_space<hbm>> -> memref<5000xf32, #tpu.memory_space<hbm>>
      %dma_start3A_672 = arith.constant 0 : i32
      %dma_start3A_673 = tpu.memref_slice %arg16[%dma_start3A_672] : memref<5008xf32, #tpu.memory_space<vmem>> -> memref<5000xf32, #tpu.memory_space<vmem>>
      %dma_start3A_674 = tpu.memref_slice %arg8[%min3A_33] : memref<20000xf32, #tpu.memory_space<hbm>> -> memref<5000xf32, #tpu.memory_space<hbm>>
      tpu.enqueue_dma source(%dma_start3A_674 : memref<5000xf32, #tpu.memory_space<hbm>>) target(%dma_start3A_673 : memref<5000xf32, #tpu.memory_space<vmem>>) target_semaphore(%run_scoped3A : memref<!tpu.dma_semaphore, #tpu.memory_space<semaphore_mem>>)
      %dma_wait3A = arith.constant 0 : i32
      %dma_wait3A_675 = tpu.memref_slice %arg16[%dma_wait3A] : memref<5008xf32, #tpu.memory_space<vmem>> -> memref<5000xf32, #tpu.memory_space<vmem>>
      %dma_wait3A_676 = tpu.memref_slice %arg8[%min3A_33] : memref<20000xf32, #tpu.memory_space<hbm>> -> memref<5000xf32, #tpu.memory_space<hbm>>
      %dma_wait3A_677 = arith.constant 0 : i32
      %dma_wait3A_678 = tpu.memref_slice %arg16[%dma_wait3A_677] : memref<5008xf32, #tpu.memory_space<vmem>> -> memref<5000xf32, #tpu.memory_space<vmem>>
      %dma_wait3A_679 = tpu.memref_slice %arg8[%min3A_33] : memref<20000xf32, #tpu.memory_space<hbm>> -> memref<5000xf32, #tpu.memory_space<hbm>>
      tpu.wait_dma2 semaphore(%run_scoped3A : memref<!tpu.dma_semaphore, #tpu.memory_space<semaphore_mem>>) src(%dma_wait3A_679 : memref<5000xf32, #tpu.memory_space<hbm>>) dst(%dma_wait3A_678 : memref<5000xf32, #tpu.memory_space<vmem>>)
      tpu.yield
    }) : () -> ()
    "tpu.region"() ({
      %run_scoped3A = tpu.sem_alloc : memref<!tpu.dma_semaphore, #tpu.memory_space<semaphore_mem>>
      %dma_start3A = arith.constant 0 : i32
      %dma_start3A_670 = tpu.memref_slice %arg17[%dma_start3A] : memref<5008xf32, #tpu.memory_space<vmem>> -> memref<5000xf32, #tpu.memory_space<vmem>>
      %dma_start3A_671 = tpu.memref_slice %arg9[%min3A_33] : memref<20000xf32, #tpu.memory_space<hbm>> -> memref<5000xf32, #tpu.memory_space<hbm>>
      %dma_start3A_672 = arith.constant 0 : i32
      %dma_start3A_673 = tpu.memref_slice %arg17[%dma_start3A_672] : memref<5008xf32, #tpu.memory_space<vmem>> -> memref<5000xf32, #tpu.memory_space<vmem>>
      %dma_start3A_674 = tpu.memref_slice %arg9[%min3A_33] : memref<20000xf32, #tpu.memory_space<hbm>> -> memref<5000xf32, #tpu.memory_space<hbm>>
      tpu.enqueue_dma source(%dma_start3A_674 : memref<5000xf32, #tpu.memory_space<hbm>>) target(%dma_start3A_673 : memref<5000xf32, #tpu.memory_space<vmem>>) target_semaphore(%run_scoped3A : memref<!tpu.dma_semaphore, #tpu.memory_space<semaphore_mem>>)
      %dma_wait3A = arith.constant 0 : i32
      %dma_wait3A_675 = tpu.memref_slice %arg17[%dma_wait3A] : memref<5008xf32, #tpu.memory_space<vmem>> -> memref<5000xf32, #tpu.memory_space<vmem>>
      %dma_wait3A_676 = tpu.memref_slice %arg9[%min3A_33] : memref<20000xf32, #tpu.memory_space<hbm>> -> memref<5000xf32, #tpu.memory_space<hbm>>
      %dma_wait3A_677 = arith.constant 0 : i32
      %dma_wait3A_678 = tpu.memref_slice %arg17[%dma_wait3A_677] : memref<5008xf32, #tpu.memory_space<vmem>> -> memref<5000xf32, #tpu.memory_space<vmem>>
      %dma_wait3A_679 = tpu.memref_slice %arg9[%min3A_33] : memref<20000xf32, #tpu.memory_space<hbm>> -> memref<5000xf32, #tpu.memory_space<hbm>>
      tpu.wait_dma2 semaphore(%run_scoped3A : memref<!tpu.dma_semaphore, #tpu.memory_space<semaphore_mem>>) src(%dma_wait3A_679 : memref<5000xf32, #tpu.memory_space<hbm>>) dst(%dma_wait3A_678 : memref<5000xf32, #tpu.memory_space<vmem>>)
      tpu.yield
    }) : () -> ()
    %mul3A_37 = arith.constant 112 : i32
    %mul3A_38 = arith.muli %select_n3A, %mul3A_37 : i32
    "tpu.region"() ({
      %run_scoped3A = tpu.sem_alloc : memref<!tpu.dma_semaphore, #tpu.memory_space<semaphore_mem>>
      %dma_start3A = tpu.memref_slice %arg3[%mul3A_38] : memref<896xi32, #tpu.memory_space<hbm>> -> memref<112xi32, #tpu.memory_space<hbm>>
      %dma_start3A_670 = tpu.memref_slice %arg3[%mul3A_38] : memref<896xi32, #tpu.memory_space<hbm>> -> memref<112xi32, #tpu.memory_space<hbm>>
      tpu.enqueue_dma source(%dma_start3A_670 : memref<112xi32, #tpu.memory_space<hbm>>) target(%arg18 : memref<112xi32, #tpu.memory_space<vmem>>) target_semaphore(%run_scoped3A : memref<!tpu.dma_semaphore, #tpu.memory_space<semaphore_mem>>)
      %dma_wait3A = tpu.memref_slice %arg3[%mul3A_38] : memref<896xi32, #tpu.memory_space<hbm>> -> memref<112xi32, #tpu.memory_space<hbm>>
      %dma_wait3A_671 = tpu.memref_slice %arg3[%mul3A_38] : memref<896xi32, #tpu.memory_space<hbm>> -> memref<112xi32, #tpu.memory_space<hbm>>
      tpu.wait_dma2 semaphore(%run_scoped3A : memref<!tpu.dma_semaphore, #tpu.memory_space<semaphore_mem>>) src(%dma_wait3A_671 : memref<112xi32, #tpu.memory_space<hbm>>) dst(%arg18 : memref<112xi32, #tpu.memory_space<vmem>>)
      tpu.yield
    }) : () -> ()
    %mul3A_39 = arith.constant 4 : i32
    %mul3A_40 = arith.muli %mul3A_38, %mul3A_39 : i32
    "tpu.region"() ({
      %run_scoped3A = tpu.sem_alloc : memref<!tpu.dma_semaphore, #tpu.memory_space<semaphore_mem>>
      %dma_start3A = tpu.memref_slice %arg4[%mul3A_40] : memref<3584xf32, #tpu.memory_space<hbm>> -> memref<448xf32, #tpu.memory_space<hbm>>
      %dma_start3A_670 = tpu.memref_slice %arg4[%mul3A_40] : memref<3584xf32, #tpu.memory_space<hbm>> -> memref<448xf32, #tpu.memory_space<hbm>>
      tpu.enqueue_dma source(%dma_start3A_670 : memref<448xf32, #tpu.memory_space<hbm>>) target(%arg19 : memref<448xf32, #tpu.memory_space<vmem>>) target_semaphore(%run_scoped3A : memref<!tpu.dma_semaphore, #tpu.memory_space<semaphore_mem>>)
      %dma_wait3A = tpu.memref_slice %arg4[%mul3A_40] : memref<3584xf32, #tpu.memory_space<hbm>> -> memref<448xf32, #tpu.memory_space<hbm>>
      %dma_wait3A_671 = tpu.memref_slice %arg4[%mul3A_40] : memref<3584xf32, #tpu.memory_space<hbm>> -> memref<448xf32, #tpu.memory_space<hbm>>
      tpu.wait_dma2 semaphore(%run_scoped3A : memref<!tpu.dma_semaphore, #tpu.memory_space<semaphore_mem>>) src(%dma_wait3A_671 : memref<448xf32, #tpu.memory_space<hbm>>) dst(%arg19 : memref<448xf32, #tpu.memory_space<vmem>>)
      tpu.yield
    }) : () -> ()
    "tpu.region"() ({
      %run_scoped3A = tpu.sem_alloc : memref<!tpu.dma_semaphore, #tpu.memory_space<semaphore_mem>>
      %dma_start3A = tpu.memref_slice %arg5[%mul3A_38] : memref<896xi32, #tpu.memory_space<hbm>> -> memref<112xi32, #tpu.memory_space<hbm>>
      %dma_start3A_670 = tpu.memref_slice %arg5[%mul3A_38] : memref<896xi32, #tpu.memory_space<hbm>> -> memref<112xi32, #tpu.memory_space<hbm>>
      tpu.enqueue_dma source(%dma_start3A_670 : memref<112xi32, #tpu.memory_space<hbm>>) target(%arg20 : memref<112xi32, #tpu.memory_space<vmem>>) target_semaphore(%run_scoped3A : memref<!tpu.dma_semaphore, #tpu.memory_space<semaphore_mem>>)
      %dma_wait3A = tpu.memref_slice %arg5[%mul3A_38] : memref<896xi32, #tpu.memory_space<hbm>> -> memref<112xi32, #tpu.memory_space<hbm>>
      %dma_wait3A_671 = tpu.memref_slice %arg5[%mul3A_38] : memref<896xi32, #tpu.memory_space<hbm>> -> memref<112xi32, #tpu.memory_space<hbm>>
      tpu.wait_dma2 semaphore(%run_scoped3A : memref<!tpu.dma_semaphore, #tpu.memory_space<semaphore_mem>>) src(%dma_wait3A_671 : memref<112xi32, #tpu.memory_space<hbm>>) dst(%arg20 : memref<112xi32, #tpu.memory_space<vmem>>)
      tpu.yield
    }) : () -> ()
    %iota3A = tpu.iota {dimensions = array<i32: 0>} : vector<16xi32>
    %get3A = arith.constant 0 : index
    %get3A_41 = tpu.vector_load %arg18[%get3A] {strides = array<i32>} : memref<112xi32, #tpu.memory_space<vmem>>, vector<16xi32>,
    %add3A_42 = arith.constant 0 : i32
    %add3A_43 = vector.broadcast %add3A_42 : i32 to vector<16xi32>
    %add3A_44 = arith.addi %iota3A, %add3A_43 : vector<16xi32>
    %sub3A_45 = vector.broadcast %min3A_33 : i32 to vector<16xi32>
    %sub3A_46 = arith.subi %get3A_41, %sub3A_45 : vector<16xi32>
    %lt3A_47 = arith.constant 100 : i32
    %lt3A_48 = vector.broadcast %lt3A_47 : i32 to vector<16xi32>
    %lt3A_49 = arith.cmpi slt, %add3A_44, %lt3A_48 : vector<16xi32>
    %ge3A = arith.constant 0 : i32
    %ge3A_50 = vector.broadcast %ge3A : i32 to vector<16xi32>
    %ge3A_51 = arith.cmpi sge, %sub3A_46, %ge3A_50 : vector<16xi32>
    %and3A_52 = arith.andi %lt3A_49, %ge3A_51 : vector<16xi1>
    %lt3A_53 = arith.constant 5000 : i32
    %lt3A_54 = vector.broadcast %lt3A_53 : i32 to vector<16xi32>
    %lt3A_55 = arith.cmpi slt, %sub3A_46, %lt3A_54 : vector<16xi32>
    %and3A_56 = arith.andi %and3A_52, %lt3A_55 : vector<16xi1>
    %jit3A_57 = arith.constant 0 : i32
    %jit3A_58 = arith.constant 4999 : i32
    %max3A = vector.broadcast %jit3A_57 : i32 to vector<16xi32>
    %max3A_59 = arith.maxsi %max3A, %sub3A_46 : vector<16xi32>
    %min3A_60 = vector.broadcast %jit3A_58 : i32 to vector<16xi32>
    %min3A_61 = arith.minsi %min3A_60, %max3A_59 : vector<16xi32>
    %eq3A_62 = arith.constant 0 : i32
    %eq3A_63 = vector.broadcast %eq3A_62 : i32 to vector<16xi32>
    %eq3A_64 = arith.cmpi eq, %iota3A, %eq3A_63 : vector<16xi32>
    %and3A_65 = arith.andi %and3A_56, %eq3A_64 : vector<16xi1>
    tpu.vector_store_idx %arg12[%min3A_61], %add3A_44 masked %and3A_65 : memref<5008xi32, #tpu.memory_space<vmem>>[vector<16xi32>], vector<16xi32>, vector<16xi1>
    %eq3A_66 = arith.constant 1 : i32
    %eq3A_67 = vector.broadcast %eq3A_66 : i32 to vector<16xi32>
    %eq3A_68 = arith.cmpi eq, %iota3A, %eq3A_67 : vector<16xi32>
    %and3A_69 = arith.andi %and3A_56, %eq3A_68 : vector<16xi1>
    tpu.vector_store_idx %arg12[%min3A_61], %add3A_44 masked %and3A_69 : memref<5008xi32, #tpu.memory_space<vmem>>[vector<16xi32>], vector<16xi32>, vector<16xi1>
    %eq3A_70 = arith.constant 2 : i32
    %eq3A_71 = vector.broadcast %eq3A_70 : i32 to vector<16xi32>
    %eq3A_72 = arith.cmpi eq, %iota3A, %eq3A_71 : vector<16xi32>
    %and3A_73 = arith.andi %and3A_56, %eq3A_72 : vector<16xi1>
    tpu.vector_store_idx %arg12[%min3A_61], %add3A_44 masked %and3A_73 : memref<5008xi32, #tpu.memory_space<vmem>>[vector<16xi32>], vector<16xi32>, vector<16xi1>
    %eq3A_74 = arith.constant 3 : i32
    %eq3A_75 = vector.broadcast %eq3A_74 : i32 to vector<16xi32>
    %eq3A_76 = arith.cmpi eq, %iota3A, %eq3A_75 : vector<16xi32>
    %and3A_77 = arith.andi %and3A_56, %eq3A_76 : vector<16xi1>
    tpu.vector_store_idx %arg12[%min3A_61], %add3A_44 masked %and3A_77 : memref<5008xi32, #tpu.memory_space<vmem>>[vector<16xi32>], vector<16xi32>, vector<16xi1>
    %eq3A_78 = arith.constant 4 : i32
    %eq3A_79 = vector.broadcast %eq3A_78 : i32 to vector<16xi32>
    %eq3A_80 = arith.cmpi eq, %iota3A, %eq3A_79 : vector<16xi32>
    %and3A_81 = arith.andi %and3A_56, %eq3A_80 : vector<16xi1>
    tpu.vector_store_idx %arg12[%min3A_61], %add3A_44 masked %and3A_81 : memref<5008xi32, #tpu.memory_space<vmem>>[vector<16xi32>], vector<16xi32>, vector<16xi1>
    %eq3A_82 = arith.constant 5 : i32
    %eq3A_83 = vector.broadcast %eq3A_82 : i32 to vector<16xi32>
    %eq3A_84 = arith.cmpi eq, %iota3A, %eq3A_83 : vector<16xi32>
    %and3A_85 = arith.andi %and3A_56, %eq3A_84 : vector<16xi1>
    tpu.vector_store_idx %arg12[%min3A_61], %add3A_44 masked %and3A_85 : memref<5008xi32, #tpu.memory_space<vmem>>[vector<16xi32>], vector<16xi32>, vector<16xi1>
    %eq3A_86 = arith.constant 6 : i32
    %eq3A_87 = vector.broadcast %eq3A_86 : i32 to vector<16xi32>
    %eq3A_88 = arith.cmpi eq, %iota3A, %eq3A_87 : vector<16xi32>
    %and3A_89 = arith.andi %and3A_56, %eq3A_88 : vector<16xi1>
    tpu.vector_store_idx %arg12[%min3A_61], %add3A_44 masked %and3A_89 : memref<5008xi32, #tpu.memory_space<vmem>>[vector<16xi32>], vector<16xi32>, vector<16xi1>
    %eq3A_90 = arith.constant 7 : i32
    %eq3A_91 = vector.broadcast %eq3A_90 : i32 to vector<16xi32>
    %eq3A_92 = arith.cmpi eq, %iota3A, %eq3A_91 : vector<16xi32>
    %and3A_93 = arith.andi %and3A_56, %eq3A_92 : vector<16xi1>
    tpu.vector_store_idx %arg12[%min3A_61], %add3A_44 masked %and3A_93 : memref<5008xi32, #tpu.memory_space<vmem>>[vector<16xi32>], vector<16xi32>, vector<16xi1>
    %eq3A_94 = arith.constant 8 : i32
    %eq3A_95 = vector.broadcast %eq3A_94 : i32 to vector<16xi32>
    %eq3A_96 = arith.cmpi eq, %iota3A, %eq3A_95 : vector<16xi32>
    %and3A_97 = arith.andi %and3A_56, %eq3A_96 : vector<16xi1>
    tpu.vector_store_idx %arg12[%min3A_61], %add3A_44 masked %and3A_97 : memref<5008xi32, #tpu.memory_space<vmem>>[vector<16xi32>], vector<16xi32>, vector<16xi1>
    %eq3A_98 = arith.constant 9 : i32
    %eq3A_99 = vector.broadcast %eq3A_98 : i32 to vector<16xi32>
    %eq3A_100 = arith.cmpi eq, %iota3A, %eq3A_99 : vector<16xi32>
    %and3A_101 = arith.andi %and3A_56, %eq3A_100 : vector<16xi1>
    tpu.vector_store_idx %arg12[%min3A_61], %add3A_44 masked %and3A_101 : memref<5008xi32, #tpu.memory_space<vmem>>[vector<16xi32>], vector<16xi32>, vector<16xi1>
    %eq3A_102 = arith.constant 10 : i32
    %eq3A_103 = vector.broadcast %eq3A_102 : i32 to vector<16xi32>
    %eq3A_104 = arith.cmpi eq, %iota3A, %eq3A_103 : vector<16xi32>
    %and3A_105 = arith.andi %and3A_56, %eq3A_104 : vector<16xi1>
    tpu.vector_store_idx %arg12[%min3A_61], %add3A_44 masked %and3A_105 : memref<5008xi32, #tpu.memory_space<vmem>>[vector<16xi32>], vector<16xi32>, vector<16xi1>
    %eq3A_106 = arith.constant 11 : i32
    %eq3A_107 = vector.broadcast %eq3A_106 : i32 to vector<16xi32>
    %eq3A_108 = arith.cmpi eq, %iota3A, %eq3A_107 : vector<16xi32>
    %and3A_109 = arith.andi %and3A_56, %eq3A_108 : vector<16xi1>
    tpu.vector_store_idx %arg12[%min3A_61], %add3A_44 masked %and3A_109 : memref<5008xi32, #tpu.memory_space<vmem>>[vector<16xi32>], vector<16xi32>, vector<16xi1>
    %eq3A_110 = arith.constant 12 : i32
    %eq3A_111 = vector.broadcast %eq3A_110 : i32 to vector<16xi32>
    %eq3A_112 = arith.cmpi eq, %iota3A, %eq3A_111 : vector<16xi32>
    %and3A_113 = arith.andi %and3A_56, %eq3A_112 : vector<16xi1>
    tpu.vector_store_idx %arg12[%min3A_61], %add3A_44 masked %and3A_113 : memref<5008xi32, #tpu.memory_space<vmem>>[vector<16xi32>], vector<16xi32>, vector<16xi1>
    %eq3A_114 = arith.constant 13 : i32
    %eq3A_115 = vector.broadcast %eq3A_114 : i32 to vector<16xi32>
    %eq3A_116 = arith.cmpi eq, %iota3A, %eq3A_115 : vector<16xi32>
    %and3A_117 = arith.andi %and3A_56, %eq3A_116 : vector<16xi1>
    tpu.vector_store_idx %arg12[%min3A_61], %add3A_44 masked %and3A_117 : memref<5008xi32, #tpu.memory_space<vmem>>[vector<16xi32>], vector<16xi32>, vector<16xi1>
    %eq3A_118 = arith.constant 14 : i32
    %eq3A_119 = vector.broadcast %eq3A_118 : i32 to vector<16xi32>
    %eq3A_120 = arith.cmpi eq, %iota3A, %eq3A_119 : vector<16xi32>
    %and3A_121 = arith.andi %and3A_56, %eq3A_120 : vector<16xi1>
    tpu.vector_store_idx %arg12[%min3A_61], %add3A_44 masked %and3A_121 : memref<5008xi32, #tpu.memory_space<vmem>>[vector<16xi32>], vector<16xi32>, vector<16xi1>
    %eq3A_122 = arith.constant 15 : i32
    %eq3A_123 = vector.broadcast %eq3A_122 : i32 to vector<16xi32>
    %eq3A_124 = arith.cmpi eq, %iota3A, %eq3A_123 : vector<16xi32>
    %and3A_125 = arith.andi %and3A_56, %eq3A_124 : vector<16xi1>
    tpu.vector_store_idx %arg12[%min3A_61], %add3A_44 masked %and3A_125 : memref<5008xi32, #tpu.memory_space<vmem>>[vector<16xi32>], vector<16xi32>, vector<16xi1>
    %get3A_126 = arith.constant 16 : index
    %get3A_127 = tpu.vector_load %arg18[%get3A_126] {strides = array<i32>} : memref<112xi32, #tpu.memory_space<vmem>>, vector<16xi32>,
    %add3A_128 = arith.constant 16 : i32
    %add3A_129 = vector.broadcast %add3A_128 : i32 to vector<16xi32>
    %add3A_130 = arith.addi %iota3A, %add3A_129 : vector<16xi32>
    %sub3A_131 = vector.broadcast %min3A_33 : i32 to vector<16xi32>
    %sub3A_132 = arith.subi %get3A_127, %sub3A_131 : vector<16xi32>
    %lt3A_133 = arith.constant 100 : i32
    %lt3A_134 = vector.broadcast %lt3A_133 : i32 to vector<16xi32>
    %lt3A_135 = arith.cmpi slt, %add3A_130, %lt3A_134 : vector<16xi32>
    %ge3A_136 = arith.constant 0 : i32
    %ge3A_137 = vector.broadcast %ge3A_136 : i32 to vector<16xi32>
    %ge3A_138 = arith.cmpi sge, %sub3A_132, %ge3A_137 : vector<16xi32>
    %and3A_139 = arith.andi %lt3A_135, %ge3A_138 : vector<16xi1>
    %lt3A_140 = arith.constant 5000 : i32
    %lt3A_141 = vector.broadcast %lt3A_140 : i32 to vector<16xi32>
    %lt3A_142 = arith.cmpi slt, %sub3A_132, %lt3A_141 : vector<16xi32>
    %and3A_143 = arith.andi %and3A_139, %lt3A_142 : vector<16xi1>
    %jit3A_144 = arith.constant 0 : i32
    %jit3A_145 = arith.constant 4999 : i32
    %max3A_146 = vector.broadcast %jit3A_144 : i32 to vector<16xi32>
    %max3A_147 = arith.maxsi %max3A_146, %sub3A_132 : vector<16xi32>
    %min3A_148 = vector.broadcast %jit3A_145 : i32 to vector<16xi32>
    %min3A_149 = arith.minsi %min3A_148, %max3A_147 : vector<16xi32>
    %eq3A_150 = arith.constant 0 : i32
    %eq3A_151 = vector.broadcast %eq3A_150 : i32 to vector<16xi32>
    %eq3A_152 = arith.cmpi eq, %iota3A, %eq3A_151 : vector<16xi32>
    %and3A_153 = arith.andi %and3A_143, %eq3A_152 : vector<16xi1>
    tpu.vector_store_idx %arg12[%min3A_149], %add3A_130 masked %and3A_153 : memref<5008xi32, #tpu.memory_space<vmem>>[vector<16xi32>], vector<16xi32>, vector<16xi1>
    %eq3A_154 = arith.constant 1 : i32
    %eq3A_155 = vector.broadcast %eq3A_154 : i32 to vector<16xi32>
    %eq3A_156 = arith.cmpi eq, %iota3A, %eq3A_155 : vector<16xi32>
    %and3A_157 = arith.andi %and3A_143, %eq3A_156 : vector<16xi1>
    tpu.vector_store_idx %arg12[%min3A_149], %add3A_130 masked %and3A_157 : memref<5008xi32, #tpu.memory_space<vmem>>[vector<16xi32>], vector<16xi32>, vector<16xi1>
    %eq3A_158 = arith.constant 2 : i32
    %eq3A_159 = vector.broadcast %eq3A_158 : i32 to vector<16xi32>
    %eq3A_160 = arith.cmpi eq, %iota3A, %eq3A_159 : vector<16xi32>
    %and3A_161 = arith.andi %and3A_143, %eq3A_160 : vector<16xi1>
    tpu.vector_store_idx %arg12[%min3A_149], %add3A_130 masked %and3A_161 : memref<5008xi32, #tpu.memory_space<vmem>>[vector<16xi32>], vector<16xi32>, vector<16xi1>
    %eq3A_162 = arith.constant 3 : i32
    %eq3A_163 = vector.broadcast %eq3A_162 : i32 to vector<16xi32>
    %eq3A_164 = arith.cmpi eq, %iota3A, %eq3A_163 : vector<16xi32>
    %and3A_165 = arith.andi %and3A_143, %eq3A_164 : vector<16xi1>
    tpu.vector_store_idx %arg12[%min3A_149], %add3A_130 masked %and3A_165 : memref<5008xi32, #tpu.memory_space<vmem>>[vector<16xi32>], vector<16xi32>, vector<16xi1>
    %eq3A_166 = arith.constant 4 : i32
    %eq3A_167 = vector.broadcast %eq3A_166 : i32 to vector<16xi32>
    %eq3A_168 = arith.cmpi eq, %iota3A, %eq3A_167 : vector<16xi32>
    %and3A_169 = arith.andi %and3A_143, %eq3A_168 : vector<16xi1>
    tpu.vector_store_idx %arg12[%min3A_149], %add3A_130 masked %and3A_169 : memref<5008xi32, #tpu.memory_space<vmem>>[vector<16xi32>], vector<16xi32>, vector<16xi1>
    %eq3A_170 = arith.constant 5 : i32
    %eq3A_171 = vector.broadcast %eq3A_170 : i32 to vector<16xi32>
    %eq3A_172 = arith.cmpi eq, %iota3A, %eq3A_171 : vector<16xi32>
    %and3A_173 = arith.andi %and3A_143, %eq3A_172 : vector<16xi1>
    tpu.vector_store_idx %arg12[%min3A_149], %add3A_130 masked %and3A_173 : memref<5008xi32, #tpu.memory_space<vmem>>[vector<16xi32>], vector<16xi32>, vector<16xi1>
    %eq3A_174 = arith.constant 6 : i32
    %eq3A_175 = vector.broadcast %eq3A_174 : i32 to vector<16xi32>
    %eq3A_176 = arith.cmpi eq, %iota3A, %eq3A_175 : vector<16xi32>
    %and3A_177 = arith.andi %and3A_143, %eq3A_176 : vector<16xi1>
    tpu.vector_store_idx %arg12[%min3A_149], %add3A_130 masked %and3A_177 : memref<5008xi32, #tpu.memory_space<vmem>>[vector<16xi32>], vector<16xi32>, vector<16xi1>
    %eq3A_178 = arith.constant 7 : i32
    %eq3A_179 = vector.broadcast %eq3A_178 : i32 to vector<16xi32>
    %eq3A_180 = arith.cmpi eq, %iota3A, %eq3A_179 : vector<16xi32>
    %and3A_181 = arith.andi %and3A_143, %eq3A_180 : vector<16xi1>
    tpu.vector_store_idx %arg12[%min3A_149], %add3A_130 masked %and3A_181 : memref<5008xi32, #tpu.memory_space<vmem>>[vector<16xi32>], vector<16xi32>, vector<16xi1>
    %eq3A_182 = arith.constant 8 : i32
    %eq3A_183 = vector.broadcast %eq3A_182 : i32 to vector<16xi32>
    %eq3A_184 = arith.cmpi eq, %iota3A, %eq3A_183 : vector<16xi32>
    %and3A_185 = arith.andi %and3A_143, %eq3A_184 : vector<16xi1>
    tpu.vector_store_idx %arg12[%min3A_149], %add3A_130 masked %and3A_185 : memref<5008xi32, #tpu.memory_space<vmem>>[vector<16xi32>], vector<16xi32>, vector<16xi1>
    %eq3A_186 = arith.constant 9 : i32
    %eq3A_187 = vector.broadcast %eq3A_186 : i32 to vector<16xi32>
    %eq3A_188 = arith.cmpi eq, %iota3A, %eq3A_187 : vector<16xi32>
    %and3A_189 = arith.andi %and3A_143, %eq3A_188 : vector<16xi1>
    tpu.vector_store_idx %arg12[%min3A_149], %add3A_130 masked %and3A_189 : memref<5008xi32, #tpu.memory_space<vmem>>[vector<16xi32>], vector<16xi32>, vector<16xi1>
    %eq3A_190 = arith.constant 10 : i32
    %eq3A_191 = vector.broadcast %eq3A_190 : i32 to vector<16xi32>
    %eq3A_192 = arith.cmpi eq, %iota3A, %eq3A_191 : vector<16xi32>
    %and3A_193 = arith.andi %and3A_143, %eq3A_192 : vector<16xi1>
    tpu.vector_store_idx %arg12[%min3A_149], %add3A_130 masked %and3A_193 : memref<5008xi32, #tpu.memory_space<vmem>>[vector<16xi32>], vector<16xi32>, vector<16xi1>
    %eq3A_194 = arith.constant 11 : i32
    %eq3A_195 = vector.broadcast %eq3A_194 : i32 to vector<16xi32>
    %eq3A_196 = arith.cmpi eq, %iota3A, %eq3A_195 : vector<16xi32>
    %and3A_197 = arith.andi %and3A_143, %eq3A_196 : vector<16xi1>
    tpu.vector_store_idx %arg12[%min3A_149], %add3A_130 masked %and3A_197 : memref<5008xi32, #tpu.memory_space<vmem>>[vector<16xi32>], vector<16xi32>, vector<16xi1>
    %eq3A_198 = arith.constant 12 : i32
    %eq3A_199 = vector.broadcast %eq3A_198 : i32 to vector<16xi32>
    %eq3A_200 = arith.cmpi eq, %iota3A, %eq3A_199 : vector<16xi32>
    %and3A_201 = arith.andi %and3A_143, %eq3A_200 : vector<16xi1>
    tpu.vector_store_idx %arg12[%min3A_149], %add3A_130 masked %and3A_201 : memref<5008xi32, #tpu.memory_space<vmem>>[vector<16xi32>], vector<16xi32>, vector<16xi1>
    %eq3A_202 = arith.constant 13 : i32
    %eq3A_203 = vector.broadcast %eq3A_202 : i32 to vector<16xi32>
    %eq3A_204 = arith.cmpi eq, %iota3A, %eq3A_203 : vector<16xi32>
    %and3A_205 = arith.andi %and3A_143, %eq3A_204 : vector<16xi1>
    tpu.vector_store_idx %arg12[%min3A_149], %add3A_130 masked %and3A_205 : memref<5008xi32, #tpu.memory_space<vmem>>[vector<16xi32>], vector<16xi32>, vector<16xi1>
    %eq3A_206 = arith.constant 14 : i32
    %eq3A_207 = vector.broadcast %eq3A_206 : i32 to vector<16xi32>
    %eq3A_208 = arith.cmpi eq, %iota3A, %eq3A_207 : vector<16xi32>
    %and3A_209 = arith.andi %and3A_143, %eq3A_208 : vector<16xi1>
    tpu.vector_store_idx %arg12[%min3A_149], %add3A_130 masked %and3A_209 : memref<5008xi32, #tpu.memory_space<vmem>>[vector<16xi32>], vector<16xi32>, vector<16xi1>
    %eq3A_210 = arith.constant 15 : i32
    %eq3A_211 = vector.broadcast %eq3A_210 : i32 to vector<16xi32>
    %eq3A_212 = arith.cmpi eq, %iota3A, %eq3A_211 : vector<16xi32>
    %and3A_213 = arith.andi %and3A_143, %eq3A_212 : vector<16xi1>
    tpu.vector_store_idx %arg12[%min3A_149], %add3A_130 masked %and3A_213 : memref<5008xi32, #tpu.memory_space<vmem>>[vector<16xi32>], vector<16xi32>, vector<16xi1>
    %get3A_214 = arith.constant 32 : index
    %get3A_215 = tpu.vector_load %arg18[%get3A_214] {strides = array<i32>} : memref<112xi32, #tpu.memory_space<vmem>>, vector<16xi32>,
    %add3A_216 = arith.constant 32 : i32
    %add3A_217 = vector.broadcast %add3A_216 : i32 to vector<16xi32>
    %add3A_218 = arith.addi %iota3A, %add3A_217 : vector<16xi32>
    %sub3A_219 = vector.broadcast %min3A_33 : i32 to vector<16xi32>
    %sub3A_220 = arith.subi %get3A_215, %sub3A_219 : vector<16xi32>
    %lt3A_221 = arith.constant 100 : i32
    %lt3A_222 = vector.broadcast %lt3A_221 : i32 to vector<16xi32>
    %lt3A_223 = arith.cmpi slt, %add3A_218, %lt3A_222 : vector<16xi32>
    %ge3A_224 = arith.constant 0 : i32
    %ge3A_225 = vector.broadcast %ge3A_224 : i32 to vector<16xi32>
    %ge3A_226 = arith.cmpi sge, %sub3A_220, %ge3A_225 : vector<16xi32>
    %and3A_227 = arith.andi %lt3A_223, %ge3A_226 : vector<16xi1>
    %lt3A_228 = arith.constant 5000 : i32
    %lt3A_229 = vector.broadcast %lt3A_228 : i32 to vector<16xi32>
    %lt3A_230 = arith.cmpi slt, %sub3A_220, %lt3A_229 : vector<16xi32>
    %and3A_231 = arith.andi %and3A_227, %lt3A_230 : vector<16xi1>
    %jit3A_232 = arith.constant 0 : i32
    %jit3A_233 = arith.constant 4999 : i32
    %max3A_234 = vector.broadcast %jit3A_232 : i32 to vector<16xi32>
    %max3A_235 = arith.maxsi %max3A_234, %sub3A_220 : vector<16xi32>
    %min3A_236 = vector.broadcast %jit3A_233 : i32 to vector<16xi32>
    %min3A_237 = arith.minsi %min3A_236, %max3A_235 : vector<16xi32>
    %eq3A_238 = arith.constant 0 : i32
    %eq3A_239 = vector.broadcast %eq3A_238 : i32 to vector<16xi32>
    %eq3A_240 = arith.cmpi eq, %iota3A, %eq3A_239 : vector<16xi32>
    %and3A_241 = arith.andi %and3A_231, %eq3A_240 : vector<16xi1>
    tpu.vector_store_idx %arg12[%min3A_237], %add3A_218 masked %and3A_241 : memref<5008xi32, #tpu.memory_space<vmem>>[vector<16xi32>], vector<16xi32>, vector<16xi1>
    %eq3A_242 = arith.constant 1 : i32
    %eq3A_243 = vector.broadcast %eq3A_242 : i32 to vector<16xi32>
    %eq3A_244 = arith.cmpi eq, %iota3A, %eq3A_243 : vector<16xi32>
    %and3A_245 = arith.andi %and3A_231, %eq3A_244 : vector<16xi1>
    tpu.vector_store_idx %arg12[%min3A_237], %add3A_218 masked %and3A_245 : memref<5008xi32, #tpu.memory_space<vmem>>[vector<16xi32>], vector<16xi32>, vector<16xi1>
    %eq3A_246 = arith.constant 2 : i32
    %eq3A_247 = vector.broadcast %eq3A_246 : i32 to vector<16xi32>
    %eq3A_248 = arith.cmpi eq, %iota3A, %eq3A_247 : vector<16xi32>
    %and3A_249 = arith.andi %and3A_231, %eq3A_248 : vector<16xi1>
    tpu.vector_store_idx %arg12[%min3A_237], %add3A_218 masked %and3A_249 : memref<5008xi32, #tpu.memory_space<vmem>>[vector<16xi32>], vector<16xi32>, vector<16xi1>
    %eq3A_250 = arith.constant 3 : i32
    %eq3A_251 = vector.broadcast %eq3A_250 : i32 to vector<16xi32>
    %eq3A_252 = arith.cmpi eq, %iota3A, %eq3A_251 : vector<16xi32>
    %and3A_253 = arith.andi %and3A_231, %eq3A_252 : vector<16xi1>
    tpu.vector_store_idx %arg12[%min3A_237], %add3A_218 masked %and3A_253 : memref<5008xi32, #tpu.memory_space<vmem>>[vector<16xi32>], vector<16xi32>, vector<16xi1>
    %eq3A_254 = arith.constant 4 : i32
    %eq3A_255 = vector.broadcast %eq3A_254 : i32 to vector<16xi32>
    %eq3A_256 = arith.cmpi eq, %iota3A, %eq3A_255 : vector<16xi32>
    %and3A_257 = arith.andi %and3A_231, %eq3A_256 : vector<16xi1>
    tpu.vector_store_idx %arg12[%min3A_237], %add3A_218 masked %and3A_257 : memref<5008xi32, #tpu.memory_space<vmem>>[vector<16xi32>], vector<16xi32>, vector<16xi1>
    %eq3A_258 = arith.constant 5 : i32
    %eq3A_259 = vector.broadcast %eq3A_258 : i32 to vector<16xi32>
    %eq3A_260 = arith.cmpi eq, %iota3A, %eq3A_259 : vector<16xi32>
    %and3A_261 = arith.andi %and3A_231, %eq3A_260 : vector<16xi1>
    tpu.vector_store_idx %arg12[%min3A_237], %add3A_218 masked %and3A_261 : memref<5008xi32, #tpu.memory_space<vmem>>[vector<16xi32>], vector<16xi32>, vector<16xi1>
    %eq3A_262 = arith.constant 6 : i32
    %eq3A_263 = vector.broadcast %eq3A_262 : i32 to vector<16xi32>
    %eq3A_264 = arith.cmpi eq, %iota3A, %eq3A_263 : vector<16xi32>
    %and3A_265 = arith.andi %and3A_231, %eq3A_264 : vector<16xi1>
    tpu.vector_store_idx %arg12[%min3A_237], %add3A_218 masked %and3A_265 : memref<5008xi32, #tpu.memory_space<vmem>>[vector<16xi32>], vector<16xi32>, vector<16xi1>
    %eq3A_266 = arith.constant 7 : i32
    %eq3A_267 = vector.broadcast %eq3A_266 : i32 to vector<16xi32>
    %eq3A_268 = arith.cmpi eq, %iota3A, %eq3A_267 : vector<16xi32>
    %and3A_269 = arith.andi %and3A_231, %eq3A_268 : vector<16xi1>
    tpu.vector_store_idx %arg12[%min3A_237], %add3A_218 masked %and3A_269 : memref<5008xi32, #tpu.memory_space<vmem>>[vector<16xi32>], vector<16xi32>, vector<16xi1>
    %eq3A_270 = arith.constant 8 : i32
    %eq3A_271 = vector.broadcast %eq3A_270 : i32 to vector<16xi32>
    %eq3A_272 = arith.cmpi eq, %iota3A, %eq3A_271 : vector<16xi32>
    %and3A_273 = arith.andi %and3A_231, %eq3A_272 : vector<16xi1>
    tpu.vector_store_idx %arg12[%min3A_237], %add3A_218 masked %and3A_273 : memref<5008xi32, #tpu.memory_space<vmem>>[vector<16xi32>], vector<16xi32>, vector<16xi1>
    %eq3A_274 = arith.constant 9 : i32
    %eq3A_275 = vector.broadcast %eq3A_274 : i32 to vector<16xi32>
    %eq3A_276 = arith.cmpi eq, %iota3A, %eq3A_275 : vector<16xi32>
    %and3A_277 = arith.andi %and3A_231, %eq3A_276 : vector<16xi1>
    tpu.vector_store_idx %arg12[%min3A_237], %add3A_218 masked %and3A_277 : memref<5008xi32, #tpu.memory_space<vmem>>[vector<16xi32>], vector<16xi32>, vector<16xi1>
    %eq3A_278 = arith.constant 10 : i32
    %eq3A_279 = vector.broadcast %eq3A_278 : i32 to vector<16xi32>
    %eq3A_280 = arith.cmpi eq, %iota3A, %eq3A_279 : vector<16xi32>
    %and3A_281 = arith.andi %and3A_231, %eq3A_280 : vector<16xi1>
    tpu.vector_store_idx %arg12[%min3A_237], %add3A_218 masked %and3A_281 : memref<5008xi32, #tpu.memory_space<vmem>>[vector<16xi32>], vector<16xi32>, vector<16xi1>
    %eq3A_282 = arith.constant 11 : i32
    %eq3A_283 = vector.broadcast %eq3A_282 : i32 to vector<16xi32>
    %eq3A_284 = arith.cmpi eq, %iota3A, %eq3A_283 : vector<16xi32>
    %and3A_285 = arith.andi %and3A_231, %eq3A_284 : vector<16xi1>
    tpu.vector_store_idx %arg12[%min3A_237], %add3A_218 masked %and3A_285 : memref<5008xi32, #tpu.memory_space<vmem>>[vector<16xi32>], vector<16xi32>, vector<16xi1>
    %eq3A_286 = arith.constant 12 : i32
    %eq3A_287 = vector.broadcast %eq3A_286 : i32 to vector<16xi32>
    %eq3A_288 = arith.cmpi eq, %iota3A, %eq3A_287 : vector<16xi32>
    %and3A_289 = arith.andi %and3A_231, %eq3A_288 : vector<16xi1>
    tpu.vector_store_idx %arg12[%min3A_237], %add3A_218 masked %and3A_289 : memref<5008xi32, #tpu.memory_space<vmem>>[vector<16xi32>], vector<16xi32>, vector<16xi1>
    %eq3A_290 = arith.constant 13 : i32
    %eq3A_291 = vector.broadcast %eq3A_290 : i32 to vector<16xi32>
    %eq3A_292 = arith.cmpi eq, %iota3A, %eq3A_291 : vector<16xi32>
    %and3A_293 = arith.andi %and3A_231, %eq3A_292 : vector<16xi1>
    tpu.vector_store_idx %arg12[%min3A_237], %add3A_218 masked %and3A_293 : memref<5008xi32, #tpu.memory_space<vmem>>[vector<16xi32>], vector<16xi32>, vector<16xi1>
    %eq3A_294 = arith.constant 14 : i32
    %eq3A_295 = vector.broadcast %eq3A_294 : i32 to vector<16xi32>
    %eq3A_296 = arith.cmpi eq, %iota3A, %eq3A_295 : vector<16xi32>
    %and3A_297 = arith.andi %and3A_231, %eq3A_296 : vector<16xi1>
    tpu.vector_store_idx %arg12[%min3A_237], %add3A_218 masked %and3A_297 : memref<5008xi32, #tpu.memory_space<vmem>>[vector<16xi32>], vector<16xi32>, vector<16xi1>
    %eq3A_298 = arith.constant 15 : i32
    %eq3A_299 = vector.broadcast %eq3A_298 : i32 to vector<16xi32>
    %eq3A_300 = arith.cmpi eq, %iota3A, %eq3A_299 : vector<16xi32>
    %and3A_301 = arith.andi %and3A_231, %eq3A_300 : vector<16xi1>
    tpu.vector_store_idx %arg12[%min3A_237], %add3A_218 masked %and3A_301 : memref<5008xi32, #tpu.memory_space<vmem>>[vector<16xi32>], vector<16xi32>, vector<16xi1>
    %get3A_302 = arith.constant 48 : index
    %get3A_303 = tpu.vector_load %arg18[%get3A_302] {strides = array<i32>} : memref<112xi32, #tpu.memory_space<vmem>>, vector<16xi32>,
    %add3A_304 = arith.constant 48 : i32
    %add3A_305 = vector.broadcast %add3A_304 : i32 to vector<16xi32>
    %add3A_306 = arith.addi %iota3A, %add3A_305 : vector<16xi32>
    %sub3A_307 = vector.broadcast %min3A_33 : i32 to vector<16xi32>
    %sub3A_308 = arith.subi %get3A_303, %sub3A_307 : vector<16xi32>
    %lt3A_309 = arith.constant 100 : i32
    %lt3A_310 = vector.broadcast %lt3A_309 : i32 to vector<16xi32>
    %lt3A_311 = arith.cmpi slt, %add3A_306, %lt3A_310 : vector<16xi32>
    %ge3A_312 = arith.constant 0 : i32
    %ge3A_313 = vector.broadcast %ge3A_312 : i32 to vector<16xi32>
    %ge3A_314 = arith.cmpi sge, %sub3A_308, %ge3A_313 : vector<16xi32>
    %and3A_315 = arith.andi %lt3A_311, %ge3A_314 : vector<16xi1>
    %lt3A_316 = arith.constant 5000 : i32
    %lt3A_317 = vector.broadcast %lt3A_316 : i32 to vector<16xi32>
    %lt3A_318 = arith.cmpi slt, %sub3A_308, %lt3A_317 : vector<16xi32>
    %and3A_319 = arith.andi %and3A_315, %lt3A_318 : vector<16xi1>
    %jit3A_320 = arith.constant 0 : i32
    %jit3A_321 = arith.constant 4999 : i32
    %max3A_322 = vector.broadcast %jit3A_320 : i32 to vector<16xi32>
    %max3A_323 = arith.maxsi %max3A_322, %sub3A_308 : vector<16xi32>
    %min3A_324 = vector.broadcast %jit3A_321 : i32 to vector<16xi32>
    %min3A_325 = arith.minsi %min3A_324, %max3A_323 : vector<16xi32>
    %eq3A_326 = arith.constant 0 : i32
    %eq3A_327 = vector.broadcast %eq3A_326 : i32 to vector<16xi32>
    %eq3A_328 = arith.cmpi eq, %iota3A, %eq3A_327 : vector<16xi32>
    %and3A_329 = arith.andi %and3A_319, %eq3A_328 : vector<16xi1>
    tpu.vector_store_idx %arg12[%min3A_325], %add3A_306 masked %and3A_329 : memref<5008xi32, #tpu.memory_space<vmem>>[vector<16xi32>], vector<16xi32>, vector<16xi1>
    %eq3A_330 = arith.constant 1 : i32
    %eq3A_331 = vector.broadcast %eq3A_330 : i32 to vector<16xi32>
    %eq3A_332 = arith.cmpi eq, %iota3A, %eq3A_331 : vector<16xi32>
    %and3A_333 = arith.andi %and3A_319, %eq3A_332 : vector<16xi1>
    tpu.vector_store_idx %arg12[%min3A_325], %add3A_306 masked %and3A_333 : memref<5008xi32, #tpu.memory_space<vmem>>[vector<16xi32>], vector<16xi32>, vector<16xi1>
    %eq3A_334 = arith.constant 2 : i32
    %eq3A_335 = vector.broadcast %eq3A_334 : i32 to vector<16xi32>
    %eq3A_336 = arith.cmpi eq, %iota3A, %eq3A_335 : vector<16xi32>
    %and3A_337 = arith.andi %and3A_319, %eq3A_336 : vector<16xi1>
    tpu.vector_store_idx %arg12[%min3A_325], %add3A_306 masked %and3A_337 : memref<5008xi32, #tpu.memory_space<vmem>>[vector<16xi32>], vector<16xi32>, vector<16xi1>
    %eq3A_338 = arith.constant 3 : i32
    %eq3A_339 = vector.broadcast %eq3A_338 : i32 to vector<16xi32>
    %eq3A_340 = arith.cmpi eq, %iota3A, %eq3A_339 : vector<16xi32>
    %and3A_341 = arith.andi %and3A_319, %eq3A_340 : vector<16xi1>
    tpu.vector_store_idx %arg12[%min3A_325], %add3A_306 masked %and3A_341 : memref<5008xi32, #tpu.memory_space<vmem>>[vector<16xi32>], vector<16xi32>, vector<16xi1>
    %eq3A_342 = arith.constant 4 : i32
    %eq3A_343 = vector.broadcast %eq3A_342 : i32 to vector<16xi32>
    %eq3A_344 = arith.cmpi eq, %iota3A, %eq3A_343 : vector<16xi32>
    %and3A_345 = arith.andi %and3A_319, %eq3A_344 : vector<16xi1>
    tpu.vector_store_idx %arg12[%min3A_325], %add3A_306 masked %and3A_345 : memref<5008xi32, #tpu.memory_space<vmem>>[vector<16xi32>], vector<16xi32>, vector<16xi1>
    %eq3A_346 = arith.constant 5 : i32
    %eq3A_347 = vector.broadcast %eq3A_346 : i32 to vector<16xi32>
    %eq3A_348 = arith.cmpi eq, %iota3A, %eq3A_347 : vector<16xi32>
    %and3A_349 = arith.andi %and3A_319, %eq3A_348 : vector<16xi1>
    tpu.vector_store_idx %arg12[%min3A_325], %add3A_306 masked %and3A_349 : memref<5008xi32, #tpu.memory_space<vmem>>[vector<16xi32>], vector<16xi32>, vector<16xi1>
    %eq3A_350 = arith.constant 6 : i32
    %eq3A_351 = vector.broadcast %eq3A_350 : i32 to vector<16xi32>
    %eq3A_352 = arith.cmpi eq, %iota3A, %eq3A_351 : vector<16xi32>
    %and3A_353 = arith.andi %and3A_319, %eq3A_352 : vector<16xi1>
    tpu.vector_store_idx %arg12[%min3A_325], %add3A_306 masked %and3A_353 : memref<5008xi32, #tpu.memory_space<vmem>>[vector<16xi32>], vector<16xi32>, vector<16xi1>
    %eq3A_354 = arith.constant 7 : i32
    %eq3A_355 = vector.broadcast %eq3A_354 : i32 to vector<16xi32>
    %eq3A_356 = arith.cmpi eq, %iota3A, %eq3A_355 : vector<16xi32>
    %and3A_357 = arith.andi %and3A_319, %eq3A_356 : vector<16xi1>
    tpu.vector_store_idx %arg12[%min3A_325], %add3A_306 masked %and3A_357 : memref<5008xi32, #tpu.memory_space<vmem>>[vector<16xi32>], vector<16xi32>, vector<16xi1>
    %eq3A_358 = arith.constant 8 : i32
    %eq3A_359 = vector.broadcast %eq3A_358 : i32 to vector<16xi32>
    %eq3A_360 = arith.cmpi eq, %iota3A, %eq3A_359 : vector<16xi32>
    %and3A_361 = arith.andi %and3A_319, %eq3A_360 : vector<16xi1>
    tpu.vector_store_idx %arg12[%min3A_325], %add3A_306 masked %and3A_361 : memref<5008xi32, #tpu.memory_space<vmem>>[vector<16xi32>], vector<16xi32>, vector<16xi1>
    %eq3A_362 = arith.constant 9 : i32
    %eq3A_363 = vector.broadcast %eq3A_362 : i32 to vector<16xi32>
    %eq3A_364 = arith.cmpi eq, %iota3A, %eq3A_363 : vector<16xi32>
    %and3A_365 = arith.andi %and3A_319, %eq3A_364 : vector<16xi1>
    tpu.vector_store_idx %arg12[%min3A_325], %add3A_306 masked %and3A_365 : memref<5008xi32, #tpu.memory_space<vmem>>[vector<16xi32>], vector<16xi32>, vector<16xi1>
    %eq3A_366 = arith.constant 10 : i32
    %eq3A_367 = vector.broadcast %eq3A_366 : i32 to vector<16xi32>
    %eq3A_368 = arith.cmpi eq, %iota3A, %eq3A_367 : vector<16xi32>
    %and3A_369 = arith.andi %and3A_319, %eq3A_368 : vector<16xi1>
    tpu.vector_store_idx %arg12[%min3A_325], %add3A_306 masked %and3A_369 : memref<5008xi32, #tpu.memory_space<vmem>>[vector<16xi32>], vector<16xi32>, vector<16xi1>
    %eq3A_370 = arith.constant 11 : i32
    %eq3A_371 = vector.broadcast %eq3A_370 : i32 to vector<16xi32>
    %eq3A_372 = arith.cmpi eq, %iota3A, %eq3A_371 : vector<16xi32>
    %and3A_373 = arith.andi %and3A_319, %eq3A_372 : vector<16xi1>
    tpu.vector_store_idx %arg12[%min3A_325], %add3A_306 masked %and3A_373 : memref<5008xi32, #tpu.memory_space<vmem>>[vector<16xi32>], vector<16xi32>, vector<16xi1>
    %eq3A_374 = arith.constant 12 : i32
    %eq3A_375 = vector.broadcast %eq3A_374 : i32 to vector<16xi32>
    %eq3A_376 = arith.cmpi eq, %iota3A, %eq3A_375 : vector<16xi32>
    %and3A_377 = arith.andi %and3A_319, %eq3A_376 : vector<16xi1>
    tpu.vector_store_idx %arg12[%min3A_325], %add3A_306 masked %and3A_377 : memref<5008xi32, #tpu.memory_space<vmem>>[vector<16xi32>], vector<16xi32>, vector<16xi1>
    %eq3A_378 = arith.constant 13 : i32
    %eq3A_379 = vector.broadcast %eq3A_378 : i32 to vector<16xi32>
    %eq3A_380 = arith.cmpi eq, %iota3A, %eq3A_379 : vector<16xi32>
    %and3A_381 = arith.andi %and3A_319, %eq3A_380 : vector<16xi1>
    tpu.vector_store_idx %arg12[%min3A_325], %add3A_306 masked %and3A_381 : memref<5008xi32, #tpu.memory_space<vmem>>[vector<16xi32>], vector<16xi32>, vector<16xi1>
    %eq3A_382 = arith.constant 14 : i32
    %eq3A_383 = vector.broadcast %eq3A_382 : i32 to vector<16xi32>
    %eq3A_384 = arith.cmpi eq, %iota3A, %eq3A_383 : vector<16xi32>
    %and3A_385 = arith.andi %and3A_319, %eq3A_384 : vector<16xi1>
    tpu.vector_store_idx %arg12[%min3A_325], %add3A_306 masked %and3A_385 : memref<5008xi32, #tpu.memory_space<vmem>>[vector<16xi32>], vector<16xi32>, vector<16xi1>
    %eq3A_386 = arith.constant 15 : i32
    %eq3A_387 = vector.broadcast %eq3A_386 : i32 to vector<16xi32>
    %eq3A_388 = arith.cmpi eq, %iota3A, %eq3A_387 : vector<16xi32>
    %and3A_389 = arith.andi %and3A_319, %eq3A_388 : vector<16xi1>
    tpu.vector_store_idx %arg12[%min3A_325], %add3A_306 masked %and3A_389 : memref<5008xi32, #tpu.memory_space<vmem>>[vector<16xi32>], vector<16xi32>, vector<16xi1>
    %get3A_390 = arith.constant 64 : index
    %get3A_391 = tpu.vector_load %arg18[%get3A_390] {strides = array<i32>} : memref<112xi32, #tpu.memory_space<vmem>>, vector<16xi32>,
    %add3A_392 = arith.constant 64 : i32
    %add3A_393 = vector.broadcast %add3A_392 : i32 to vector<16xi32>
    %add3A_394 = arith.addi %iota3A, %add3A_393 : vector<16xi32>
    %sub3A_395 = vector.broadcast %min3A_33 : i32 to vector<16xi32>
    %sub3A_396 = arith.subi %get3A_391, %sub3A_395 : vector<16xi32>
    %lt3A_397 = arith.constant 100 : i32
    %lt3A_398 = vector.broadcast %lt3A_397 : i32 to vector<16xi32>
    %lt3A_399 = arith.cmpi slt, %add3A_394, %lt3A_398 : vector<16xi32>
    %ge3A_400 = arith.constant 0 : i32
    %ge3A_401 = vector.broadcast %ge3A_400 : i32 to vector<16xi32>
    %ge3A_402 = arith.cmpi sge, %sub3A_396, %ge3A_401 : vector<16xi32>
    %and3A_403 = arith.andi %lt3A_399, %ge3A_402 : vector<16xi1>
    %lt3A_404 = arith.constant 5000 : i32
    %lt3A_405 = vector.broadcast %lt3A_404 : i32 to vector<16xi32>
    %lt3A_406 = arith.cmpi slt, %sub3A_396, %lt3A_405 : vector<16xi32>
    %and3A_407 = arith.andi %and3A_403, %lt3A_406 : vector<16xi1>
    %jit3A_408 = arith.constant 0 : i32
    %jit3A_409 = arith.constant 4999 : i32
    %max3A_410 = vector.broadcast %jit3A_408 : i32 to vector<16xi32>
    %max3A_411 = arith.maxsi %max3A_410, %sub3A_396 : vector<16xi32>
    %min3A_412 = vector.broadcast %jit3A_409 : i32 to vector<16xi32>
    %min3A_413 = arith.minsi %min3A_412, %max3A_411 : vector<16xi32>
    %eq3A_414 = arith.constant 0 : i32
    %eq3A_415 = vector.broadcast %eq3A_414 : i32 to vector<16xi32>
    %eq3A_416 = arith.cmpi eq, %iota3A, %eq3A_415 : vector<16xi32>
    %and3A_417 = arith.andi %and3A_407, %eq3A_416 : vector<16xi1>
    tpu.vector_store_idx %arg12[%min3A_413], %add3A_394 masked %and3A_417 : memref<5008xi32, #tpu.memory_space<vmem>>[vector<16xi32>], vector<16xi32>, vector<16xi1>
    %eq3A_418 = arith.constant 1 : i32
    %eq3A_419 = vector.broadcast %eq3A_418 : i32 to vector<16xi32>
    %eq3A_420 = arith.cmpi eq, %iota3A, %eq3A_419 : vector<16xi32>
    %and3A_421 = arith.andi %and3A_407, %eq3A_420 : vector<16xi1>
    tpu.vector_store_idx %arg12[%min3A_413], %add3A_394 masked %and3A_421 : memref<5008xi32, #tpu.memory_space<vmem>>[vector<16xi32>], vector<16xi32>, vector<16xi1>
    %eq3A_422 = arith.constant 2 : i32
    %eq3A_423 = vector.broadcast %eq3A_422 : i32 to vector<16xi32>
    %eq3A_424 = arith.cmpi eq, %iota3A, %eq3A_423 : vector<16xi32>
    %and3A_425 = arith.andi %and3A_407, %eq3A_424 : vector<16xi1>
    tpu.vector_store_idx %arg12[%min3A_413], %add3A_394 masked %and3A_425 : memref<5008xi32, #tpu.memory_space<vmem>>[vector<16xi32>], vector<16xi32>, vector<16xi1>
    %eq3A_426 = arith.constant 3 : i32
    %eq3A_427 = vector.broadcast %eq3A_426 : i32 to vector<16xi32>
    %eq3A_428 = arith.cmpi eq, %iota3A, %eq3A_427 : vector<16xi32>
    %and3A_429 = arith.andi %and3A_407, %eq3A_428 : vector<16xi1>
    tpu.vector_store_idx %arg12[%min3A_413], %add3A_394 masked %and3A_429 : memref<5008xi32, #tpu.memory_space<vmem>>[vector<16xi32>], vector<16xi32>, vector<16xi1>
    %eq3A_430 = arith.constant 4 : i32
    %eq3A_431 = vector.broadcast %eq3A_430 : i32 to vector<16xi32>
    %eq3A_432 = arith.cmpi eq, %iota3A, %eq3A_431 : vector<16xi32>
    %and3A_433 = arith.andi %and3A_407, %eq3A_432 : vector<16xi1>
    tpu.vector_store_idx %arg12[%min3A_413], %add3A_394 masked %and3A_433 : memref<5008xi32, #tpu.memory_space<vmem>>[vector<16xi32>], vector<16xi32>, vector<16xi1>
    %eq3A_434 = arith.constant 5 : i32
    %eq3A_435 = vector.broadcast %eq3A_434 : i32 to vector<16xi32>
    %eq3A_436 = arith.cmpi eq, %iota3A, %eq3A_435 : vector<16xi32>
    %and3A_437 = arith.andi %and3A_407, %eq3A_436 : vector<16xi1>
    tpu.vector_store_idx %arg12[%min3A_413], %add3A_394 masked %and3A_437 : memref<5008xi32, #tpu.memory_space<vmem>>[vector<16xi32>], vector<16xi32>, vector<16xi1>
    %eq3A_438 = arith.constant 6 : i32
    %eq3A_439 = vector.broadcast %eq3A_438 : i32 to vector<16xi32>
    %eq3A_440 = arith.cmpi eq, %iota3A, %eq3A_439 : vector<16xi32>
    %and3A_441 = arith.andi %and3A_407, %eq3A_440 : vector<16xi1>
    tpu.vector_store_idx %arg12[%min3A_413], %add3A_394 masked %and3A_441 : memref<5008xi32, #tpu.memory_space<vmem>>[vector<16xi32>], vector<16xi32>, vector<16xi1>
    %eq3A_442 = arith.constant 7 : i32
    %eq3A_443 = vector.broadcast %eq3A_442 : i32 to vector<16xi32>
    %eq3A_444 = arith.cmpi eq, %iota3A, %eq3A_443 : vector<16xi32>
    %and3A_445 = arith.andi %and3A_407, %eq3A_444 : vector<16xi1>
    tpu.vector_store_idx %arg12[%min3A_413], %add3A_394 masked %and3A_445 : memref<5008xi32, #tpu.memory_space<vmem>>[vector<16xi32>], vector<16xi32>, vector<16xi1>
    %eq3A_446 = arith.constant 8 : i32
    %eq3A_447 = vector.broadcast %eq3A_446 : i32 to vector<16xi32>
    %eq3A_448 = arith.cmpi eq, %iota3A, %eq3A_447 : vector<16xi32>
    %and3A_449 = arith.andi %and3A_407, %eq3A_448 : vector<16xi1>
    tpu.vector_store_idx %arg12[%min3A_413], %add3A_394 masked %and3A_449 : memref<5008xi32, #tpu.memory_space<vmem>>[vector<16xi32>], vector<16xi32>, vector<16xi1>
    %eq3A_450 = arith.constant 9 : i32
    %eq3A_451 = vector.broadcast %eq3A_450 : i32 to vector<16xi32>
    %eq3A_452 = arith.cmpi eq, %iota3A, %eq3A_451 : vector<16xi32>
    %and3A_453 = arith.andi %and3A_407, %eq3A_452 : vector<16xi1>
    tpu.vector_store_idx %arg12[%min3A_413], %add3A_394 masked %and3A_453 : memref<5008xi32, #tpu.memory_space<vmem>>[vector<16xi32>], vector<16xi32>, vector<16xi1>
    %eq3A_454 = arith.constant 10 : i32
    %eq3A_455 = vector.broadcast %eq3A_454 : i32 to vector<16xi32>
    %eq3A_456 = arith.cmpi eq, %iota3A, %eq3A_455 : vector<16xi32>
    %and3A_457 = arith.andi %and3A_407, %eq3A_456 : vector<16xi1>
    tpu.vector_store_idx %arg12[%min3A_413], %add3A_394 masked %and3A_457 : memref<5008xi32, #tpu.memory_space<vmem>>[vector<16xi32>], vector<16xi32>, vector<16xi1>
    %eq3A_458 = arith.constant 11 : i32
    %eq3A_459 = vector.broadcast %eq3A_458 : i32 to vector<16xi32>
    %eq3A_460 = arith.cmpi eq, %iota3A, %eq3A_459 : vector<16xi32>
    %and3A_461 = arith.andi %and3A_407, %eq3A_460 : vector<16xi1>
    tpu.vector_store_idx %arg12[%min3A_413], %add3A_394 masked %and3A_461 : memref<5008xi32, #tpu.memory_space<vmem>>[vector<16xi32>], vector<16xi32>, vector<16xi1>
    %eq3A_462 = arith.constant 12 : i32
    %eq3A_463 = vector.broadcast %eq3A_462 : i32 to vector<16xi32>
    %eq3A_464 = arith.cmpi eq, %iota3A, %eq3A_463 : vector<16xi32>
    %and3A_465 = arith.andi %and3A_407, %eq3A_464 : vector<16xi1>
    tpu.vector_store_idx %arg12[%min3A_413], %add3A_394 masked %and3A_465 : memref<5008xi32, #tpu.memory_space<vmem>>[vector<16xi32>], vector<16xi32>, vector<16xi1>
    %eq3A_466 = arith.constant 13 : i32
    %eq3A_467 = vector.broadcast %eq3A_466 : i32 to vector<16xi32>
    %eq3A_468 = arith.cmpi eq, %iota3A, %eq3A_467 : vector<16xi32>
    %and3A_469 = arith.andi %and3A_407, %eq3A_468 : vector<16xi1>
    tpu.vector_store_idx %arg12[%min3A_413], %add3A_394 masked %and3A_469 : memref<5008xi32, #tpu.memory_space<vmem>>[vector<16xi32>], vector<16xi32>, vector<16xi1>
    %eq3A_470 = arith.constant 14 : i32
    %eq3A_471 = vector.broadcast %eq3A_470 : i32 to vector<16xi32>
    %eq3A_472 = arith.cmpi eq, %iota3A, %eq3A_471 : vector<16xi32>
    %and3A_473 = arith.andi %and3A_407, %eq3A_472 : vector<16xi1>
    tpu.vector_store_idx %arg12[%min3A_413], %add3A_394 masked %and3A_473 : memref<5008xi32, #tpu.memory_space<vmem>>[vector<16xi32>], vector<16xi32>, vector<16xi1>
    %eq3A_474 = arith.constant 15 : i32
    %eq3A_475 = vector.broadcast %eq3A_474 : i32 to vector<16xi32>
    %eq3A_476 = arith.cmpi eq, %iota3A, %eq3A_475 : vector<16xi32>
    %and3A_477 = arith.andi %and3A_407, %eq3A_476 : vector<16xi1>
    tpu.vector_store_idx %arg12[%min3A_413], %add3A_394 masked %and3A_477 : memref<5008xi32, #tpu.memory_space<vmem>>[vector<16xi32>], vector<16xi32>, vector<16xi1>
    %get3A_478 = arith.constant 80 : index
    %get3A_479 = tpu.vector_load %arg18[%get3A_478] {strides = array<i32>} : memref<112xi32, #tpu.memory_space<vmem>>, vector<16xi32>,
    %add3A_480 = arith.constant 80 : i32
    %add3A_481 = vector.broadcast %add3A_480 : i32 to vector<16xi32>
    %add3A_482 = arith.addi %iota3A, %add3A_481 : vector<16xi32>
    %sub3A_483 = vector.broadcast %min3A_33 : i32 to vector<16xi32>
    %sub3A_484 = arith.subi %get3A_479, %sub3A_483 : vector<16xi32>
    %lt3A_485 = arith.constant 100 : i32
    %lt3A_486 = vector.broadcast %lt3A_485 : i32 to vector<16xi32>
    %lt3A_487 = arith.cmpi slt, %add3A_482, %lt3A_486 : vector<16xi32>
    %ge3A_488 = arith.constant 0 : i32
    %ge3A_489 = vector.broadcast %ge3A_488 : i32 to vector<16xi32>
    %ge3A_490 = arith.cmpi sge, %sub3A_484, %ge3A_489 : vector<16xi32>
    %and3A_491 = arith.andi %lt3A_487, %ge3A_490 : vector<16xi1>
    %lt3A_492 = arith.constant 5000 : i32
    %lt3A_493 = vector.broadcast %lt3A_492 : i32 to vector<16xi32>
    %lt3A_494 = arith.cmpi slt, %sub3A_484, %lt3A_493 : vector<16xi32>
    %and3A_495 = arith.andi %and3A_491, %lt3A_494 : vector<16xi1>
    %jit3A_496 = arith.constant 0 : i32
    %jit3A_497 = arith.constant 4999 : i32
    %max3A_498 = vector.broadcast %jit3A_496 : i32 to vector<16xi32>
    %max3A_499 = arith.maxsi %max3A_498, %sub3A_484 : vector<16xi32>
    %min3A_500 = vector.broadcast %jit3A_497 : i32 to vector<16xi32>
    %min3A_501 = arith.minsi %min3A_500, %max3A_499 : vector<16xi32>
    %eq3A_502 = arith.constant 0 : i32
    %eq3A_503 = vector.broadcast %eq3A_502 : i32 to vector<16xi32>
    %eq3A_504 = arith.cmpi eq, %iota3A, %eq3A_503 : vector<16xi32>
    %and3A_505 = arith.andi %and3A_495, %eq3A_504 : vector<16xi1>
    tpu.vector_store_idx %arg12[%min3A_501], %add3A_482 masked %and3A_505 : memref<5008xi32, #tpu.memory_space<vmem>>[vector<16xi32>], vector<16xi32>, vector<16xi1>
    %eq3A_506 = arith.constant 1 : i32
    %eq3A_507 = vector.broadcast %eq3A_506 : i32 to vector<16xi32>
    %eq3A_508 = arith.cmpi eq, %iota3A, %eq3A_507 : vector<16xi32>
    %and3A_509 = arith.andi %and3A_495, %eq3A_508 : vector<16xi1>
    tpu.vector_store_idx %arg12[%min3A_501], %add3A_482 masked %and3A_509 : memref<5008xi32, #tpu.memory_space<vmem>>[vector<16xi32>], vector<16xi32>, vector<16xi1>
    %eq3A_510 = arith.constant 2 : i32
    %eq3A_511 = vector.broadcast %eq3A_510 : i32 to vector<16xi32>
    %eq3A_512 = arith.cmpi eq, %iota3A, %eq3A_511 : vector<16xi32>
    %and3A_513 = arith.andi %and3A_495, %eq3A_512 : vector<16xi1>
    tpu.vector_store_idx %arg12[%min3A_501], %add3A_482 masked %and3A_513 : memref<5008xi32, #tpu.memory_space<vmem>>[vector<16xi32>], vector<16xi32>, vector<16xi1>
    %eq3A_514 = arith.constant 3 : i32
    %eq3A_515 = vector.broadcast %eq3A_514 : i32 to vector<16xi32>
    %eq3A_516 = arith.cmpi eq, %iota3A, %eq3A_515 : vector<16xi32>
    %and3A_517 = arith.andi %and3A_495, %eq3A_516 : vector<16xi1>
    tpu.vector_store_idx %arg12[%min3A_501], %add3A_482 masked %and3A_517 : memref<5008xi32, #tpu.memory_space<vmem>>[vector<16xi32>], vector<16xi32>, vector<16xi1>
    %eq3A_518 = arith.constant 4 : i32
    %eq3A_519 = vector.broadcast %eq3A_518 : i32 to vector<16xi32>
    %eq3A_520 = arith.cmpi eq, %iota3A, %eq3A_519 : vector<16xi32>
    %and3A_521 = arith.andi %and3A_495, %eq3A_520 : vector<16xi1>
    tpu.vector_store_idx %arg12[%min3A_501], %add3A_482 masked %and3A_521 : memref<5008xi32, #tpu.memory_space<vmem>>[vector<16xi32>], vector<16xi32>, vector<16xi1>
    %eq3A_522 = arith.constant 5 : i32
    %eq3A_523 = vector.broadcast %eq3A_522 : i32 to vector<16xi32>
    %eq3A_524 = arith.cmpi eq, %iota3A, %eq3A_523 : vector<16xi32>
    %and3A_525 = arith.andi %and3A_495, %eq3A_524 : vector<16xi1>
    tpu.vector_store_idx %arg12[%min3A_501], %add3A_482 masked %and3A_525 : memref<5008xi32, #tpu.memory_space<vmem>>[vector<16xi32>], vector<16xi32>, vector<16xi1>
    %eq3A_526 = arith.constant 6 : i32
    %eq3A_527 = vector.broadcast %eq3A_526 : i32 to vector<16xi32>
    %eq3A_528 = arith.cmpi eq, %iota3A, %eq3A_527 : vector<16xi32>
    %and3A_529 = arith.andi %and3A_495, %eq3A_528 : vector<16xi1>
    tpu.vector_store_idx %arg12[%min3A_501], %add3A_482 masked %and3A_529 : memref<5008xi32, #tpu.memory_space<vmem>>[vector<16xi32>], vector<16xi32>, vector<16xi1>
    %eq3A_530 = arith.constant 7 : i32
    %eq3A_531 = vector.broadcast %eq3A_530 : i32 to vector<16xi32>
    %eq3A_532 = arith.cmpi eq, %iota3A, %eq3A_531 : vector<16xi32>
    %and3A_533 = arith.andi %and3A_495, %eq3A_532 : vector<16xi1>
    tpu.vector_store_idx %arg12[%min3A_501], %add3A_482 masked %and3A_533 : memref<5008xi32, #tpu.memory_space<vmem>>[vector<16xi32>], vector<16xi32>, vector<16xi1>
    %eq3A_534 = arith.constant 8 : i32
    %eq3A_535 = vector.broadcast %eq3A_534 : i32 to vector<16xi32>
    %eq3A_536 = arith.cmpi eq, %iota3A, %eq3A_535 : vector<16xi32>
    %and3A_537 = arith.andi %and3A_495, %eq3A_536 : vector<16xi1>
    tpu.vector_store_idx %arg12[%min3A_501], %add3A_482 masked %and3A_537 : memref<5008xi32, #tpu.memory_space<vmem>>[vector<16xi32>], vector<16xi32>, vector<16xi1>
    %eq3A_538 = arith.constant 9 : i32
    %eq3A_539 = vector.broadcast %eq3A_538 : i32 to vector<16xi32>
    %eq3A_540 = arith.cmpi eq, %iota3A, %eq3A_539 : vector<16xi32>
    %and3A_541 = arith.andi %and3A_495, %eq3A_540 : vector<16xi1>
    tpu.vector_store_idx %arg12[%min3A_501], %add3A_482 masked %and3A_541 : memref<5008xi32, #tpu.memory_space<vmem>>[vector<16xi32>], vector<16xi32>, vector<16xi1>
    %eq3A_542 = arith.constant 10 : i32
    %eq3A_543 = vector.broadcast %eq3A_542 : i32 to vector<16xi32>
    %eq3A_544 = arith.cmpi eq, %iota3A, %eq3A_543 : vector<16xi32>
    %and3A_545 = arith.andi %and3A_495, %eq3A_544 : vector<16xi1>
    tpu.vector_store_idx %arg12[%min3A_501], %add3A_482 masked %and3A_545 : memref<5008xi32, #tpu.memory_space<vmem>>[vector<16xi32>], vector<16xi32>, vector<16xi1>
    %eq3A_546 = arith.constant 11 : i32
    %eq3A_547 = vector.broadcast %eq3A_546 : i32 to vector<16xi32>
    %eq3A_548 = arith.cmpi eq, %iota3A, %eq3A_547 : vector<16xi32>
    %and3A_549 = arith.andi %and3A_495, %eq3A_548 : vector<16xi1>
    tpu.vector_store_idx %arg12[%min3A_501], %add3A_482 masked %and3A_549 : memref<5008xi32, #tpu.memory_space<vmem>>[vector<16xi32>], vector<16xi32>, vector<16xi1>
    %eq3A_550 = arith.constant 12 : i32
    %eq3A_551 = vector.broadcast %eq3A_550 : i32 to vector<16xi32>
    %eq3A_552 = arith.cmpi eq, %iota3A, %eq3A_551 : vector<16xi32>
    %and3A_553 = arith.andi %and3A_495, %eq3A_552 : vector<16xi1>
    tpu.vector_store_idx %arg12[%min3A_501], %add3A_482 masked %and3A_553 : memref<5008xi32, #tpu.memory_space<vmem>>[vector<16xi32>], vector<16xi32>, vector<16xi1>
    %eq3A_554 = arith.constant 13 : i32
    %eq3A_555 = vector.broadcast %eq3A_554 : i32 to vector<16xi32>
    %eq3A_556 = arith.cmpi eq, %iota3A, %eq3A_555 : vector<16xi32>
    %and3A_557 = arith.andi %and3A_495, %eq3A_556 : vector<16xi1>
    tpu.vector_store_idx %arg12[%min3A_501], %add3A_482 masked %and3A_557 : memref<5008xi32, #tpu.memory_space<vmem>>[vector<16xi32>], vector<16xi32>, vector<16xi1>
    %eq3A_558 = arith.constant 14 : i32
    %eq3A_559 = vector.broadcast %eq3A_558 : i32 to vector<16xi32>
    %eq3A_560 = arith.cmpi eq, %iota3A, %eq3A_559 : vector<16xi32>
    %and3A_561 = arith.andi %and3A_495, %eq3A_560 : vector<16xi1>
    tpu.vector_store_idx %arg12[%min3A_501], %add3A_482 masked %and3A_561 : memref<5008xi32, #tpu.memory_space<vmem>>[vector<16xi32>], vector<16xi32>, vector<16xi1>
    %eq3A_562 = arith.constant 15 : i32
    %eq3A_563 = vector.broadcast %eq3A_562 : i32 to vector<16xi32>
    %eq3A_564 = arith.cmpi eq, %iota3A, %eq3A_563 : vector<16xi32>
    %and3A_565 = arith.andi %and3A_495, %eq3A_564 : vector<16xi1>
    tpu.vector_store_idx %arg12[%min3A_501], %add3A_482 masked %and3A_565 : memref<5008xi32, #tpu.memory_space<vmem>>[vector<16xi32>], vector<16xi32>, vector<16xi1>
    %get3A_566 = arith.constant 96 : index
    %get3A_567 = tpu.vector_load %arg18[%get3A_566] {strides = array<i32>} : memref<112xi32, #tpu.memory_space<vmem>>, vector<16xi32>,
    %add3A_568 = arith.constant 96 : i32
    %add3A_569 = vector.broadcast %add3A_568 : i32 to vector<16xi32>
    %add3A_570 = arith.addi %iota3A, %add3A_569 : vector<16xi32>
    %sub3A_571 = vector.broadcast %min3A_33 : i32 to vector<16xi32>
    %sub3A_572 = arith.subi %get3A_567, %sub3A_571 : vector<16xi32>
    %lt3A_573 = arith.constant 100 : i32
    %lt3A_574 = vector.broadcast %lt3A_573 : i32 to vector<16xi32>
    %lt3A_575 = arith.cmpi slt, %add3A_570, %lt3A_574 : vector<16xi32>
    %ge3A_576 = arith.constant 0 : i32
    %ge3A_577 = vector.broadcast %ge3A_576 : i32 to vector<16xi32>
    %ge3A_578 = arith.cmpi sge, %sub3A_572, %ge3A_577 : vector<16xi32>
    %and3A_579 = arith.andi %lt3A_575, %ge3A_578 : vector<16xi1>
    %lt3A_580 = arith.constant 5000 : i32
    %lt3A_581 = vector.broadcast %lt3A_580 : i32 to vector<16xi32>
    %lt3A_582 = arith.cmpi slt, %sub3A_572, %lt3A_581 : vector<16xi32>
    %and3A_583 = arith.andi %and3A_579, %lt3A_582 : vector<16xi1>
    %jit3A_584 = arith.constant 0 : i32
    %jit3A_585 = arith.constant 4999 : i32
    %max3A_586 = vector.broadcast %jit3A_584 : i32 to vector<16xi32>
    %max3A_587 = arith.maxsi %max3A_586, %sub3A_572 : vector<16xi32>
    %min3A_588 = vector.broadcast %jit3A_585 : i32 to vector<16xi32>
    %min3A_589 = arith.minsi %min3A_588, %max3A_587 : vector<16xi32>
    %eq3A_590 = arith.constant 0 : i32
    %eq3A_591 = vector.broadcast %eq3A_590 : i32 to vector<16xi32>
    %eq3A_592 = arith.cmpi eq, %iota3A, %eq3A_591 : vector<16xi32>
    %and3A_593 = arith.andi %and3A_583, %eq3A_592 : vector<16xi1>
    tpu.vector_store_idx %arg12[%min3A_589], %add3A_570 masked %and3A_593 : memref<5008xi32, #tpu.memory_space<vmem>>[vector<16xi32>], vector<16xi32>, vector<16xi1>
    %eq3A_594 = arith.constant 1 : i32
    %eq3A_595 = vector.broadcast %eq3A_594 : i32 to vector<16xi32>
    %eq3A_596 = arith.cmpi eq, %iota3A, %eq3A_595 : vector<16xi32>
    %and3A_597 = arith.andi %and3A_583, %eq3A_596 : vector<16xi1>
    tpu.vector_store_idx %arg12[%min3A_589], %add3A_570 masked %and3A_597 : memref<5008xi32, #tpu.memory_space<vmem>>[vector<16xi32>], vector<16xi32>, vector<16xi1>
    %eq3A_598 = arith.constant 2 : i32
    %eq3A_599 = vector.broadcast %eq3A_598 : i32 to vector<16xi32>
    %eq3A_600 = arith.cmpi eq, %iota3A, %eq3A_599 : vector<16xi32>
    %and3A_601 = arith.andi %and3A_583, %eq3A_600 : vector<16xi1>
    tpu.vector_store_idx %arg12[%min3A_589], %add3A_570 masked %and3A_601 : memref<5008xi32, #tpu.memory_space<vmem>>[vector<16xi32>], vector<16xi32>, vector<16xi1>
    %eq3A_602 = arith.constant 3 : i32
    %eq3A_603 = vector.broadcast %eq3A_602 : i32 to vector<16xi32>
    %eq3A_604 = arith.cmpi eq, %iota3A, %eq3A_603 : vector<16xi32>
    %and3A_605 = arith.andi %and3A_583, %eq3A_604 : vector<16xi1>
    tpu.vector_store_idx %arg12[%min3A_589], %add3A_570 masked %and3A_605 : memref<5008xi32, #tpu.memory_space<vmem>>[vector<16xi32>], vector<16xi32>, vector<16xi1>
    %eq3A_606 = arith.constant 4 : i32
    %eq3A_607 = vector.broadcast %eq3A_606 : i32 to vector<16xi32>
    %eq3A_608 = arith.cmpi eq, %iota3A, %eq3A_607 : vector<16xi32>
    %and3A_609 = arith.andi %and3A_583, %eq3A_608 : vector<16xi1>
    tpu.vector_store_idx %arg12[%min3A_589], %add3A_570 masked %and3A_609 : memref<5008xi32, #tpu.memory_space<vmem>>[vector<16xi32>], vector<16xi32>, vector<16xi1>
    %eq3A_610 = arith.constant 5 : i32
    %eq3A_611 = vector.broadcast %eq3A_610 : i32 to vector<16xi32>
    %eq3A_612 = arith.cmpi eq, %iota3A, %eq3A_611 : vector<16xi32>
    %and3A_613 = arith.andi %and3A_583, %eq3A_612 : vector<16xi1>
    tpu.vector_store_idx %arg12[%min3A_589], %add3A_570 masked %and3A_613 : memref<5008xi32, #tpu.memory_space<vmem>>[vector<16xi32>], vector<16xi32>, vector<16xi1>
    %eq3A_614 = arith.constant 6 : i32
    %eq3A_615 = vector.broadcast %eq3A_614 : i32 to vector<16xi32>
    %eq3A_616 = arith.cmpi eq, %iota3A, %eq3A_615 : vector<16xi32>
    %and3A_617 = arith.andi %and3A_583, %eq3A_616 : vector<16xi1>
    tpu.vector_store_idx %arg12[%min3A_589], %add3A_570 masked %and3A_617 : memref<5008xi32, #tpu.memory_space<vmem>>[vector<16xi32>], vector<16xi32>, vector<16xi1>
    %eq3A_618 = arith.constant 7 : i32
    %eq3A_619 = vector.broadcast %eq3A_618 : i32 to vector<16xi32>
    %eq3A_620 = arith.cmpi eq, %iota3A, %eq3A_619 : vector<16xi32>
    %and3A_621 = arith.andi %and3A_583, %eq3A_620 : vector<16xi1>
    tpu.vector_store_idx %arg12[%min3A_589], %add3A_570 masked %and3A_621 : memref<5008xi32, #tpu.memory_space<vmem>>[vector<16xi32>], vector<16xi32>, vector<16xi1>
    %eq3A_622 = arith.constant 8 : i32
    %eq3A_623 = vector.broadcast %eq3A_622 : i32 to vector<16xi32>
    %eq3A_624 = arith.cmpi eq, %iota3A, %eq3A_623 : vector<16xi32>
    %and3A_625 = arith.andi %and3A_583, %eq3A_624 : vector<16xi1>
    tpu.vector_store_idx %arg12[%min3A_589], %add3A_570 masked %and3A_625 : memref<5008xi32, #tpu.memory_space<vmem>>[vector<16xi32>], vector<16xi32>, vector<16xi1>
    %eq3A_626 = arith.constant 9 : i32
    %eq3A_627 = vector.broadcast %eq3A_626 : i32 to vector<16xi32>
    %eq3A_628 = arith.cmpi eq, %iota3A, %eq3A_627 : vector<16xi32>
    %and3A_629 = arith.andi %and3A_583, %eq3A_628 : vector<16xi1>
    tpu.vector_store_idx %arg12[%min3A_589], %add3A_570 masked %and3A_629 : memref<5008xi32, #tpu.memory_space<vmem>>[vector<16xi32>], vector<16xi32>, vector<16xi1>
    %eq3A_630 = arith.constant 10 : i32
    %eq3A_631 = vector.broadcast %eq3A_630 : i32 to vector<16xi32>
    %eq3A_632 = arith.cmpi eq, %iota3A, %eq3A_631 : vector<16xi32>
    %and3A_633 = arith.andi %and3A_583, %eq3A_632 : vector<16xi1>
    tpu.vector_store_idx %arg12[%min3A_589], %add3A_570 masked %and3A_633 : memref<5008xi32, #tpu.memory_space<vmem>>[vector<16xi32>], vector<16xi32>, vector<16xi1>
    %eq3A_634 = arith.constant 11 : i32
    %eq3A_635 = vector.broadcast %eq3A_634 : i32 to vector<16xi32>
    %eq3A_636 = arith.cmpi eq, %iota3A, %eq3A_635 : vector<16xi32>
    %and3A_637 = arith.andi %and3A_583, %eq3A_636 : vector<16xi1>
    tpu.vector_store_idx %arg12[%min3A_589], %add3A_570 masked %and3A_637 : memref<5008xi32, #tpu.memory_space<vmem>>[vector<16xi32>], vector<16xi32>, vector<16xi1>
    %eq3A_638 = arith.constant 12 : i32
    %eq3A_639 = vector.broadcast %eq3A_638 : i32 to vector<16xi32>
    %eq3A_640 = arith.cmpi eq, %iota3A, %eq3A_639 : vector<16xi32>
    %and3A_641 = arith.andi %and3A_583, %eq3A_640 : vector<16xi1>
    tpu.vector_store_idx %arg12[%min3A_589], %add3A_570 masked %and3A_641 : memref<5008xi32, #tpu.memory_space<vmem>>[vector<16xi32>], vector<16xi32>, vector<16xi1>
    %eq3A_642 = arith.constant 13 : i32
    %eq3A_643 = vector.broadcast %eq3A_642 : i32 to vector<16xi32>
    %eq3A_644 = arith.cmpi eq, %iota3A, %eq3A_643 : vector<16xi32>
    %and3A_645 = arith.andi %and3A_583, %eq3A_644 : vector<16xi1>
    tpu.vector_store_idx %arg12[%min3A_589], %add3A_570 masked %and3A_645 : memref<5008xi32, #tpu.memory_space<vmem>>[vector<16xi32>], vector<16xi32>, vector<16xi1>
    %eq3A_646 = arith.constant 14 : i32
    %eq3A_647 = vector.broadcast %eq3A_646 : i32 to vector<16xi32>
    %eq3A_648 = arith.cmpi eq, %iota3A, %eq3A_647 : vector<16xi32>
    %and3A_649 = arith.andi %and3A_583, %eq3A_648 : vector<16xi1>
    tpu.vector_store_idx %arg12[%min3A_589], %add3A_570 masked %and3A_649 : memref<5008xi32, #tpu.memory_space<vmem>>[vector<16xi32>], vector<16xi32>, vector<16xi1>
    %eq3A_650 = arith.constant 15 : i32
    %eq3A_651 = vector.broadcast %eq3A_650 : i32 to vector<16xi32>
    %eq3A_652 = arith.cmpi eq, %iota3A, %eq3A_651 : vector<16xi32>
    %and3A_653 = arith.andi %and3A_583, %eq3A_652 : vector<16xi1>
    tpu.vector_store_idx %arg12[%min3A_589], %add3A_570 masked %and3A_653 : memref<5008xi32, #tpu.memory_space<vmem>>[vector<16xi32>], vector<16xi32>, vector<16xi1>
    %scan3A = arith.constant 0 : i32
    %scan3A_654 = arith.constant 0 : i32
    %scan3A_655 = arith.constant 313 : i32
    %scan3A_656 = arith.addi %scan3A_654, %scan3A_655 : i32
    %scan3A_657 = arith.constant 1 : i32
    scf.for %scan3A_670 = %scan3A_654 to %scan3A_656 step %scan3A_657  : i32 {
      %mul3A_671 = arith.constant 16 : i32
      %mul3A_672 = arith.muli %scan3A_670, %mul3A_671 : i32
      %get3A_673 = arith.index_cast %mul3A_672 : i32 to index
      %get3A_674 = tpu.vector_load %arg12[%get3A_673] {strides = array<i32>} : memref<5008xi32, #tpu.memory_space<vmem>>, vector<16xi32>,
      %shift_right_arithmetic3A = arith.constant 16 : i32
      %shift_right_arithmetic3A_675 = vector.broadcast %shift_right_arithmetic3A : i32 to vector<16xi32>
      %shift_right_arithmetic3A_676 = arith.shrsi %get3A_674, %shift_right_arithmetic3A_675 : vector<16xi32>
      %and3A_677 = arith.constant 65535 : i32
      %and3A_678 = vector.broadcast %and3A_677 : i32 to vector<16xi32>
      %and3A_679 = arith.andi %get3A_674, %and3A_678 : vector<16xi32>
      %jit3A_680 = arith.constant 0 : i32
      %jit3A_681 = arith.constant 111 : i32
      %max3A_682 = vector.broadcast %jit3A_680 : i32 to vector<16xi32>
      %max3A_683 = arith.maxsi %max3A_682, %and3A_679 : vector<16xi32>
      %min3A_684 = vector.broadcast %jit3A_681 : i32 to vector<16xi32>
      %min3A_685 = arith.minsi %min3A_684, %max3A_683 : vector<16xi32>
      %gather3A = tpu.vector_load_idx %arg20[%min3A_685] : memref<112xi32, #tpu.memory_space<vmem>>[vector<16xi32>], vector<16xi32>,
      %shift_left3A = arith.constant 2 : i32
      %shift_left3A_686 = vector.broadcast %shift_left3A : i32 to vector<16xi32>
      %shift_left3A_687 = arith.shli %min3A_685, %shift_left3A_686 : vector<16xi32>
      %gather3A_688 = tpu.vector_load_idx %arg19[%shift_left3A_687] : memref<448xf32, #tpu.memory_space<vmem>>[vector<16xi32>], vector<16xf32>,
      %add3A_689 = arith.constant 1 : i32
      %add3A_690 = vector.broadcast %add3A_689 : i32 to vector<16xi32>
      %add3A_691 = arith.addi %shift_left3A_687, %add3A_690 : vector<16xi32>
      %gather3A_692 = tpu.vector_load_idx %arg19[%add3A_691] : memref<448xf32, #tpu.memory_space<vmem>>[vector<16xi32>], vector<16xf32>,
      %add3A_693 = arith.constant 2 : i32
      %add3A_694 = vector.broadcast %add3A_693 : i32 to vector<16xi32>
      %add3A_695 = arith.addi %shift_left3A_687, %add3A_694 : vector<16xi32>
      %gather3A_696 = tpu.vector_load_idx %arg19[%add3A_695] : memref<448xf32, #tpu.memory_space<vmem>>[vector<16xi32>], vector<16xf32>,
      %add3A_697 = arith.constant 3 : i32
      %add3A_698 = vector.broadcast %add3A_697 : i32 to vector<16xi32>
      %add3A_699 = arith.addi %shift_left3A_687, %add3A_698 : vector<16xi32>
      %gather3A_700 = tpu.vector_load_idx %arg19[%add3A_699] : memref<448xf32, #tpu.memory_space<vmem>>[vector<16xi32>], vector<16xf32>,
      %add3A_701 = arith.addf %gather3A_688, %gather3A_696 : vector<16xf32>
      %mul3A_702 = arith.constant 5.000000e-01 : f32
      %mul3A_703 = vector.broadcast %mul3A_702 : f32 to vector<16xf32>
      %mul3A_704 = arith.mulf %add3A_701, %mul3A_703 : vector<16xf32>
      %add3A_705 = arith.addf %gather3A_692, %gather3A_700 : vector<16xf32>
      %mul3A_706 = arith.constant 5.000000e-01 : f32
      %mul3A_707 = vector.broadcast %mul3A_706 : f32 to vector<16xf32>
      %mul3A_708 = arith.mulf %add3A_705, %mul3A_707 : vector<16xf32>
      %sub3A_709 = arith.subf %gather3A_696, %gather3A_688 : vector<16xf32>
      %sub3A_710 = arith.subf %gather3A_700, %gather3A_692 : vector<16xf32>
      %get3A_711 = arith.index_cast %mul3A_672 : i32 to index
      %get3A_712 = tpu.vector_load %arg14[%get3A_711] {strides = array<i32>} : memref<5008xf32, #tpu.memory_space<vmem>>, vector<16xf32>,
      %get3A_713 = arith.index_cast %mul3A_672 : i32 to index
      %get3A_714 = tpu.vector_load %arg15[%get3A_713] {strides = array<i32>} : memref<5008xf32, #tpu.memory_space<vmem>>, vector<16xf32>,
      %get3A_715 = arith.index_cast %mul3A_672 : i32 to index
      %get3A_716 = tpu.vector_load %arg16[%get3A_715] {strides = array<i32>} : memref<5008xf32, #tpu.memory_space<vmem>>, vector<16xf32>,
      %get3A_717 = arith.index_cast %mul3A_672 : i32 to index
      %get3A_718 = tpu.vector_load %arg17[%get3A_717] {strides = array<i32>} : memref<5008xf32, #tpu.memory_space<vmem>>, vector<16xf32>,
      %sub3A_719 = arith.subf %mul3A_704, %get3A_712 : vector<16xf32>
      %div3A_720 = arith.divf %sub3A_719, %get3A_716 : vector<16xf32>
      %mul3A_721 = arith.constant 1.000000e+01 : f32
      %mul3A_722 = vector.broadcast %mul3A_721 : f32 to vector<16xf32>
      %mul3A_723 = arith.mulf %div3A_720, %mul3A_722 : vector<16xf32>
      %swap3A = arith.index_cast %mul3A_672 : i32 to index
      %swap3A_724 = tpu.vector_load %arg21[%swap3A] {strides = array<i32>} : memref<5008xf32, #tpu.memory_space<vmem>>, vector<16xf32>,
      tpu.vector_store %arg21[%swap3A], %mul3A_723 {strides = array<i32>} : memref<5008xf32, #tpu.memory_space<vmem>>, vector<16xf32>,
      %sub3A_725 = arith.subf %mul3A_708, %get3A_714 : vector<16xf32>
      %div3A_726 = arith.divf %sub3A_725, %get3A_718 : vector<16xf32>
      %mul3A_727 = arith.constant 1.000000e+01 : f32
      %mul3A_728 = vector.broadcast %mul3A_727 : f32 to vector<16xf32>
      %mul3A_729 = arith.mulf %div3A_726, %mul3A_728 : vector<16xf32>
      %swap3A_730 = arith.index_cast %mul3A_672 : i32 to index
      %swap3A_731 = tpu.vector_load %arg22[%swap3A_730] {strides = array<i32>} : memref<5008xf32, #tpu.memory_space<vmem>>, vector<16xf32>,
      tpu.vector_store %arg22[%swap3A_730], %mul3A_729 {strides = array<i32>} : memref<5008xf32, #tpu.memory_space<vmem>>, vector<16xf32>,
      %div3A_732 = arith.divf %sub3A_709, %get3A_716 : vector<16xf32>
      %bitcast3A = vector.bitcast %div3A_732 : vector<16xf32> to vector<16xi32>
      %shift_right_arithmetic3A_733 = arith.constant 23 : i32
      %shift_right_arithmetic3A_734 = vector.broadcast %shift_right_arithmetic3A_733 : i32 to vector<16xi32>
      %shift_right_arithmetic3A_735 = arith.shrsi %bitcast3A, %shift_right_arithmetic3A_734 : vector<16xi32>
      %sub3A_736 = arith.constant 127 : i32
      %sub3A_737 = vector.broadcast %sub3A_736 : i32 to vector<16xi32>
      %sub3A_738 = arith.subi %shift_right_arithmetic3A_735, %sub3A_737 : vector<16xi32>
      %and3A_739 = arith.constant 8388607 : i32
      %and3A_740 = vector.broadcast %and3A_739 : i32 to vector<16xi32>
      %and3A_741 = arith.andi %bitcast3A, %and3A_740 : vector<16xi32>
      %or3A = arith.constant 1065353216 : i32
      %or3A_742 = vector.broadcast %or3A : i32 to vector<16xi32>
      %or3A_743 = arith.ori %and3A_741, %or3A_742 : vector<16xi32>
      %bitcast3A_744 = vector.bitcast %or3A_743 : vector<16xi32> to vector<16xf32>
      %gt3A = arith.constant 1.41421354 : f32
      %gt3A_745 = vector.broadcast %gt3A : f32 to vector<16xf32>
      %gt3A_746 = arith.cmpf ogt, %bitcast3A_744, %gt3A_745 : vector<16xf32>
      %mul3A_747 = arith.constant 5.000000e-01 : f32
      %mul3A_748 = vector.broadcast %mul3A_747 : f32 to vector<16xf32>
      %mul3A_749 = arith.mulf %bitcast3A_744, %mul3A_748 : vector<16xf32>
      %select_n3A_750 = arith.select %gt3A_746, %mul3A_749, %bitcast3A_744 : vector<16xi1>, vector<16xf32>
      %convert_element_type3A = arith.sitofp %sub3A_738 : vector<16xi32> to vector<16xf32>
      %jit3A_751 = arith.constant 1.000000e+00 : f32
      %jit3A_752 = arith.constant 0.000000e+00 : f32
      %broadcast_in_dim3A = vector.broadcast %jit3A_751 : f32 to vector<16xf32>
      %broadcast_in_dim3A_753 = vector.broadcast %jit3A_752 : f32 to vector<16xf32>
      %select_n3A_754 = arith.select %gt3A_746, %broadcast_in_dim3A, %broadcast_in_dim3A_753 : vector<16xi1>, vector<16xf32>
      %add3A_755 = arith.addf %convert_element_type3A, %select_n3A_754 : vector<16xf32>
      %sub3A_756 = arith.constant 1.000000e+00 : f32
      %sub3A_757 = vector.broadcast %sub3A_756 : f32 to vector<16xf32>
      %sub3A_758 = arith.subf %select_n3A_750, %sub3A_757 : vector<16xf32>
      %add3A_759 = arith.constant 1.000000e+00 : f32
      %add3A_760 = vector.broadcast %add3A_759 : f32 to vector<16xf32>
      %add3A_761 = arith.addf %select_n3A_750, %add3A_760 : vector<16xf32>
      %div3A_762 = arith.divf %sub3A_758, %add3A_761 : vector<16xf32>
      %mul3A_763 = arith.mulf %div3A_762, %div3A_762 : vector<16xf32>
      %mul3A_764 = arith.constant 0.693147182 : f32
      %mul3A_765 = vector.broadcast %mul3A_764 : f32 to vector<16xf32>
      %mul3A_766 = arith.mulf %add3A_755, %mul3A_765 : vector<16xf32>
      %mul3A_767 = arith.constant 4.000000e-01 : f32
      %mul3A_768 = vector.broadcast %mul3A_767 : f32 to vector<16xf32>
      %mul3A_769 = arith.mulf %mul3A_763, %mul3A_768 : vector<16xf32>
      %add3A_770 = arith.constant 0.666666686 : f32
      %add3A_771 = vector.broadcast %add3A_770 : f32 to vector<16xf32>
      %add3A_772 = arith.addf %add3A_771, %mul3A_769 : vector<16xf32>
      %mul3A_773 = arith.mulf %mul3A_763, %add3A_772 : vector<16xf32>
      %add3A_774 = arith.constant 2.000000e+00 : f32
      %add3A_775 = vector.broadcast %add3A_774 : f32 to vector<16xf32>
      %add3A_776 = arith.addf %add3A_775, %mul3A_773 : vector<16xf32>
      %mul3A_777 = arith.mulf %div3A_762, %add3A_776 : vector<16xf32>
      %add3A_778 = arith.addf %mul3A_766, %mul3A_777 : vector<16xf32>
      %mul3A_779 = arith.constant 5.000000e+00 : f32
      %mul3A_780 = vector.broadcast %mul3A_779 : f32 to vector<16xf32>
      %mul3A_781 = arith.mulf %add3A_778, %mul3A_780 : vector<16xf32>
      %swap3A_782 = arith.index_cast %mul3A_672 : i32 to index
      %swap3A_783 = tpu.vector_load %arg23[%swap3A_782] {strides = array<i32>} : memref<5008xf32, #tpu.memory_space<vmem>>, vector<16xf32>,
      tpu.vector_store %arg23[%swap3A_782], %mul3A_781 {strides = array<i32>} : memref<5008xf32, #tpu.memory_space<vmem>>, vector<16xf32>,
      %div3A_784 = arith.divf %sub3A_710, %get3A_718 : vector<16xf32>
      %bitcast3A_785 = vector.bitcast %div3A_784 : vector<16xf32> to vector<16xi32>
      %shift_right_arithmetic3A_786 = arith.constant 23 : i32
      %shift_right_arithmetic3A_787 = vector.broadcast %shift_right_arithmetic3A_786 : i32 to vector<16xi32>
      %shift_right_arithmetic3A_788 = arith.shrsi %bitcast3A_785, %shift_right_arithmetic3A_787 : vector<16xi32>
      %sub3A_789 = arith.constant 127 : i32
      %sub3A_790 = vector.broadcast %sub3A_789 : i32 to vector<16xi32>
      %sub3A_791 = arith.subi %shift_right_arithmetic3A_788, %sub3A_790 : vector<16xi32>
      %and3A_792 = arith.constant 8388607 : i32
      %and3A_793 = vector.broadcast %and3A_792 : i32 to vector<16xi32>
      %and3A_794 = arith.andi %bitcast3A_785, %and3A_793 : vector<16xi32>
      %or3A_795 = arith.constant 1065353216 : i32
      %or3A_796 = vector.broadcast %or3A_795 : i32 to vector<16xi32>
      %or3A_797 = arith.ori %and3A_794, %or3A_796 : vector<16xi32>
      %bitcast3A_798 = vector.bitcast %or3A_797 : vector<16xi32> to vector<16xf32>
      %gt3A_799 = arith.constant 1.41421354 : f32
      %gt3A_800 = vector.broadcast %gt3A_799 : f32 to vector<16xf32>
      %gt3A_801 = arith.cmpf ogt, %bitcast3A_798, %gt3A_800 : vector<16xf32>
      %mul3A_802 = arith.constant 5.000000e-01 : f32
      %mul3A_803 = vector.broadcast %mul3A_802 : f32 to vector<16xf32>
      %mul3A_804 = arith.mulf %bitcast3A_798, %mul3A_803 : vector<16xf32>
      %select_n3A_805 = arith.select %gt3A_801, %mul3A_804, %bitcast3A_798 : vector<16xi1>, vector<16xf32>
      %convert_element_type3A_806 = arith.sitofp %sub3A_791 : vector<16xi32> to vector<16xf32>
      %jit3A_807 = arith.constant 1.000000e+00 : f32
      %jit3A_808 = arith.constant 0.000000e+00 : f32
      %broadcast_in_dim3A_809 = vector.broadcast %jit3A_807 : f32 to vector<16xf32>
      %broadcast_in_dim3A_810 = vector.broadcast %jit3A_808 : f32 to vector<16xf32>
      %select_n3A_811 = arith.select %gt3A_801, %broadcast_in_dim3A_809, %broadcast_in_dim3A_810 : vector<16xi1>, vector<16xf32>
      %add3A_812 = arith.addf %convert_element_type3A_806, %select_n3A_811 : vector<16xf32>
      %sub3A_813 = arith.constant 1.000000e+00 : f32
      %sub3A_814 = vector.broadcast %sub3A_813 : f32 to vector<16xf32>
      %sub3A_815 = arith.subf %select_n3A_805, %sub3A_814 : vector<16xf32>
      %add3A_816 = arith.constant 1.000000e+00 : f32
      %add3A_817 = vector.broadcast %add3A_816 : f32 to vector<16xf32>
      %add3A_818 = arith.addf %select_n3A_805, %add3A_817 : vector<16xf32>
      %div3A_819 = arith.divf %sub3A_815, %add3A_818 : vector<16xf32>
      %mul3A_820 = arith.mulf %div3A_819, %div3A_819 : vector<16xf32>
      %mul3A_821 = arith.constant 0.693147182 : f32
      %mul3A_822 = vector.broadcast %mul3A_821 : f32 to vector<16xf32>
      %mul3A_823 = arith.mulf %add3A_812, %mul3A_822 : vector<16xf32>
      %mul3A_824 = arith.constant 4.000000e-01 : f32
      %mul3A_825 = vector.broadcast %mul3A_824 : f32 to vector<16xf32>
      %mul3A_826 = arith.mulf %mul3A_820, %mul3A_825 : vector<16xf32>
      %add3A_827 = arith.constant 0.666666686 : f32
      %add3A_828 = vector.broadcast %add3A_827 : f32 to vector<16xf32>
      %add3A_829 = arith.addf %add3A_828, %mul3A_826 : vector<16xf32>
      %mul3A_830 = arith.mulf %mul3A_820, %add3A_829 : vector<16xf32>
      %add3A_831 = arith.constant 2.000000e+00 : f32
      %add3A_832 = vector.broadcast %add3A_831 : f32 to vector<16xf32>
      %add3A_833 = arith.addf %add3A_832, %mul3A_830 : vector<16xf32>
      %mul3A_834 = arith.mulf %div3A_819, %add3A_833 : vector<16xf32>
      %add3A_835 = arith.addf %mul3A_823, %mul3A_834 : vector<16xf32>
      %mul3A_836 = arith.constant 5.000000e+00 : f32
      %mul3A_837 = vector.broadcast %mul3A_836 : f32 to vector<16xf32>
      %mul3A_838 = arith.mulf %add3A_835, %mul3A_837 : vector<16xf32>
      %swap3A_839 = arith.index_cast %mul3A_672 : i32 to index
      %swap3A_840 = tpu.vector_load %arg24[%swap3A_839] {strides = array<i32>} : memref<5008xf32, #tpu.memory_space<vmem>>, vector<16xf32>,
      tpu.vector_store %arg24[%swap3A_839], %mul3A_838 {strides = array<i32>} : memref<5008xf32, #tpu.memory_space<vmem>>, vector<16xf32>,
      %ne3A_841 = arith.constant 0 : i32
      %ne3A_842 = vector.broadcast %ne3A_841 : i32 to vector<16xi32>
      %ne3A_843 = arith.cmpi ne, %shift_right_arithmetic3A_676, %ne3A_842 : vector<16xi32>
      %jit3A_844 = arith.constant 0 : i32
      %broadcast_in_dim3A_845 = vector.broadcast %jit3A_844 : i32 to vector<16xi32>
      %select_n3A_846 = arith.select %ne3A_843, %broadcast_in_dim3A_845, %gather3A : vector<16xi1>, vector<16xi32>
      %swap3A_847 = arith.index_cast %mul3A_672 : i32 to index
      %swap3A_848 = tpu.vector_load %arg13[%swap3A_847] {strides = array<i32>} : memref<5008xi32, #tpu.memory_space<vmem>>, vector<16xi32>,
      tpu.vector_store %arg13[%swap3A_847], %select_n3A_846 {strides = array<i32>} : memref<5008xi32, #tpu.memory_space<vmem>>, vector<16xi32>,
    }
    %scan3A_658 = arith.constant 313 : i32
    %mul3A_659 = arith.constant 4 : i32
    %mul3A_660 = arith.muli %select_n3A, %mul3A_659 : i32
    %mul3A_661 = arith.constant 20000 : i32
    %mul3A_662 = arith.muli %mul3A_660, %mul3A_661 : i32
    %add3A_663 = arith.addi %mul3A_662, %min3A_33 : i32
    "tpu.region"() ({
      %run_scoped3A = tpu.sem_alloc : memref<!tpu.dma_semaphore, #tpu.memory_space<semaphore_mem>>
      %dma_start3A = arith.constant 0 : i32
      %dma_start3A_670 = tpu.memref_slice %arg21[%dma_start3A] : memref<5008xf32, #tpu.memory_space<vmem>> -> memref<5000xf32, #tpu.memory_space<vmem>>
      %dma_start3A_671 = tpu.memref_slice %arg10[%add3A_663] : memref<640000xf32, #tpu.memory_space<hbm>> -> memref<5000xf32, #tpu.memory_space<hbm>>
      %dma_start3A_672 = tpu.memref_slice %arg10[%add3A_663] : memref<640000xf32, #tpu.memory_space<hbm>> -> memref<5000xf32, #tpu.memory_space<hbm>>
      %dma_start3A_673 = arith.constant 0 : i32
      %dma_start3A_674 = tpu.memref_slice %arg21[%dma_start3A_673] : memref<5008xf32, #tpu.memory_space<vmem>> -> memref<5000xf32, #tpu.memory_space<vmem>>
      tpu.enqueue_dma source(%dma_start3A_674 : memref<5000xf32, #tpu.memory_space<vmem>>) target(%dma_start3A_672 : memref<5000xf32, #tpu.memory_space<hbm>>) target_semaphore(%run_scoped3A : memref<!tpu.dma_semaphore, #tpu.memory_space<semaphore_mem>>)
      %dma_wait3A = arith.constant 0 : i32
      %dma_wait3A_675 = tpu.memref_slice %arg21[%dma_wait3A] : memref<5008xf32, #tpu.memory_space<vmem>> -> memref<5000xf32, #tpu.memory_space<vmem>>
      %dma_wait3A_676 = tpu.memref_slice %arg10[%add3A_663] : memref<640000xf32, #tpu.memory_space<hbm>> -> memref<5000xf32, #tpu.memory_space<hbm>>
      %dma_wait3A_677 = tpu.memref_slice %arg10[%add3A_663] : memref<640000xf32, #tpu.memory_space<hbm>> -> memref<5000xf32, #tpu.memory_space<hbm>>
      %dma_wait3A_678 = arith.constant 0 : i32
      %dma_wait3A_679 = tpu.memref_slice %arg21[%dma_wait3A_678] : memref<5008xf32, #tpu.memory_space<vmem>> -> memref<5000xf32, #tpu.memory_space<vmem>>
      tpu.wait_dma2 semaphore(%run_scoped3A : memref<!tpu.dma_semaphore, #tpu.memory_space<semaphore_mem>>) src(%dma_wait3A_679 : memref<5000xf32, #tpu.memory_space<vmem>>) dst(%dma_wait3A_677 : memref<5000xf32, #tpu.memory_space<hbm>>)
      tpu.yield
    }) : () -> ()
    %add3A_664 = arith.constant 20000 : i32
    %add3A_665 = arith.addi %add3A_663, %add3A_664 : i32
    "tpu.region"() ({
      %run_scoped3A = tpu.sem_alloc : memref<!tpu.dma_semaphore, #tpu.memory_space<semaphore_mem>>
      %dma_start3A = arith.constant 0 : i32
      %dma_start3A_670 = tpu.memref_slice %arg22[%dma_start3A] : memref<5008xf32, #tpu.memory_space<vmem>> -> memref<5000xf32, #tpu.memory_space<vmem>>
      %dma_start3A_671 = tpu.memref_slice %arg10[%add3A_665] : memref<640000xf32, #tpu.memory_space<hbm>> -> memref<5000xf32, #tpu.memory_space<hbm>>
      %dma_start3A_672 = tpu.memref_slice %arg10[%add3A_665] : memref<640000xf32, #tpu.memory_space<hbm>> -> memref<5000xf32, #tpu.memory_space<hbm>>
      %dma_start3A_673 = arith.constant 0 : i32
      %dma_start3A_674 = tpu.memref_slice %arg22[%dma_start3A_673] : memref<5008xf32, #tpu.memory_space<vmem>> -> memref<5000xf32, #tpu.memory_space<vmem>>
      tpu.enqueue_dma source(%dma_start3A_674 : memref<5000xf32, #tpu.memory_space<vmem>>) target(%dma_start3A_672 : memref<5000xf32, #tpu.memory_space<hbm>>) target_semaphore(%run_scoped3A : memref<!tpu.dma_semaphore, #tpu.memory_space<semaphore_mem>>)
      %dma_wait3A = arith.constant 0 : i32
      %dma_wait3A_675 = tpu.memref_slice %arg22[%dma_wait3A] : memref<5008xf32, #tpu.memory_space<vmem>> -> memref<5000xf32, #tpu.memory_space<vmem>>
      %dma_wait3A_676 = tpu.memref_slice %arg10[%add3A_665] : memref<640000xf32, #tpu.memory_space<hbm>> -> memref<5000xf32, #tpu.memory_space<hbm>>
      %dma_wait3A_677 = tpu.memref_slice %arg10[%add3A_665] : memref<640000xf32, #tpu.memory_space<hbm>> -> memref<5000xf32, #tpu.memory_space<hbm>>
      %dma_wait3A_678 = arith.constant 0 : i32
      %dma_wait3A_679 = tpu.memref_slice %arg22[%dma_wait3A_678] : memref<5008xf32, #tpu.memory_space<vmem>> -> memref<5000xf32, #tpu.memory_space<vmem>>
      tpu.wait_dma2 semaphore(%run_scoped3A : memref<!tpu.dma_semaphore, #tpu.memory_space<semaphore_mem>>) src(%dma_wait3A_679 : memref<5000xf32, #tpu.memory_space<vmem>>) dst(%dma_wait3A_677 : memref<5000xf32, #tpu.memory_space<hbm>>)
      tpu.yield
    }) : () -> ()
    %add3A_666 = arith.constant 40000 : i32
    %add3A_667 = arith.addi %add3A_663, %add3A_666 : i32
    "tpu.region"() ({
      %run_scoped3A = tpu.sem_alloc : memref<!tpu.dma_semaphore, #tpu.memory_space<semaphore_mem>>
      %dma_start3A = arith.constant 0 : i32
      %dma_start3A_670 = tpu.memref_slice %arg23[%dma_start3A] : memref<5008xf32, #tpu.memory_space<vmem>> -> memref<5000xf32, #tpu.memory_space<vmem>>
      %dma_start3A_671 = tpu.memref_slice %arg10[%add3A_667] : memref<640000xf32, #tpu.memory_space<hbm>> -> memref<5000xf32, #tpu.memory_space<hbm>>
      %dma_start3A_672 = tpu.memref_slice %arg10[%add3A_667] : memref<640000xf32, #tpu.memory_space<hbm>> -> memref<5000xf32, #tpu.memory_space<hbm>>
      %dma_start3A_673 = arith.constant 0 : i32
      %dma_start3A_674 = tpu.memref_slice %arg23[%dma_start3A_673] : memref<5008xf32, #tpu.memory_space<vmem>> -> memref<5000xf32, #tpu.memory_space<vmem>>
      tpu.enqueue_dma source(%dma_start3A_674 : memref<5000xf32, #tpu.memory_space<vmem>>) target(%dma_start3A_672 : memref<5000xf32, #tpu.memory_space<hbm>>) target_semaphore(%run_scoped3A : memref<!tpu.dma_semaphore, #tpu.memory_space<semaphore_mem>>)
      %dma_wait3A = arith.constant 0 : i32
      %dma_wait3A_675 = tpu.memref_slice %arg23[%dma_wait3A] : memref<5008xf32, #tpu.memory_space<vmem>> -> memref<5000xf32, #tpu.memory_space<vmem>>
      %dma_wait3A_676 = tpu.memref_slice %arg10[%add3A_667] : memref<640000xf32, #tpu.memory_space<hbm>> -> memref<5000xf32, #tpu.memory_space<hbm>>
      %dma_wait3A_677 = tpu.memref_slice %arg10[%add3A_667] : memref<640000xf32, #tpu.memory_space<hbm>> -> memref<5000xf32, #tpu.memory_space<hbm>>
      %dma_wait3A_678 = arith.constant 0 : i32
      %dma_wait3A_679 = tpu.memref_slice %arg23[%dma_wait3A_678] : memref<5008xf32, #tpu.memory_space<vmem>> -> memref<5000xf32, #tpu.memory_space<vmem>>
      tpu.wait_dma2 semaphore(%run_scoped3A : memref<!tpu.dma_semaphore, #tpu.memory_space<semaphore_mem>>) src(%dma_wait3A_679 : memref<5000xf32, #tpu.memory_space<vmem>>) dst(%dma_wait3A_677 : memref<5000xf32, #tpu.memory_space<hbm>>)
      tpu.yield
    }) : () -> ()
    %add3A_668 = arith.constant 60000 : i32
    %add3A_669 = arith.addi %add3A_663, %add3A_668 : i32
    "tpu.region"() ({
      %run_scoped3A = tpu.sem_alloc : memref<!tpu.dma_semaphore, #tpu.memory_space<semaphore_mem>>
      %dma_start3A = arith.constant 0 : i32
      %dma_start3A_670 = tpu.memref_slice %arg24[%dma_start3A] : memref<5008xf32, #tpu.memory_space<vmem>> -> memref<5000xf32, #tpu.memory_space<vmem>>
      %dma_start3A_671 = tpu.memref_slice %arg10[%add3A_669] : memref<640000xf32, #tpu.memory_space<hbm>> -> memref<5000xf32, #tpu.memory_space<hbm>>
      %dma_start3A_672 = tpu.memref_slice %arg10[%add3A_669] : memref<640000xf32, #tpu.memory_space<hbm>> -> memref<5000xf32, #tpu.memory_space<hbm>>
      %dma_start3A_673 = arith.constant 0 : i32
      %dma_start3A_674 = tpu.memref_slice %arg24[%dma_start3A_673] : memref<5008xf32, #tpu.memory_space<vmem>> -> memref<5000xf32, #tpu.memory_space<vmem>>
      tpu.enqueue_dma source(%dma_start3A_674 : memref<5000xf32, #tpu.memory_space<vmem>>) target(%dma_start3A_672 : memref<5000xf32, #tpu.memory_space<hbm>>) target_semaphore(%run_scoped3A : memref<!tpu.dma_semaphore, #tpu.memory_space<semaphore_mem>>)
      %dma_wait3A = arith.constant 0 : i32
      %dma_wait3A_675 = tpu.memref_slice %arg24[%dma_wait3A] : memref<5008xf32, #tpu.memory_space<vmem>> -> memref<5000xf32, #tpu.memory_space<vmem>>
      %dma_wait3A_676 = tpu.memref_slice %arg10[%add3A_669] : memref<640000xf32, #tpu.memory_space<hbm>> -> memref<5000xf32, #tpu.memory_space<hbm>>
      %dma_wait3A_677 = tpu.memref_slice %arg10[%add3A_669] : memref<640000xf32, #tpu.memory_space<hbm>> -> memref<5000xf32, #tpu.memory_space<hbm>>
      %dma_wait3A_678 = arith.constant 0 : i32
      %dma_wait3A_679 = tpu.memref_slice %arg24[%dma_wait3A_678] : memref<5008xf32, #tpu.memory_space<vmem>> -> memref<5000xf32, #tpu.memory_space<vmem>>
      tpu.wait_dma2 semaphore(%run_scoped3A : memref<!tpu.dma_semaphore, #tpu.memory_space<semaphore_mem>>) src(%dma_wait3A_679 : memref<5000xf32, #tpu.memory_space<vmem>>) dst(%dma_wait3A_677 : memref<5000xf32, #tpu.memory_space<hbm>>)
      tpu.yield
    }) : () -> ()
    "tpu.region"() ({
      %run_scoped3A = tpu.sem_alloc : memref<!tpu.dma_semaphore, #tpu.memory_space<semaphore_mem>>
      %dma_start3A = arith.constant 0 : i32
      %dma_start3A_670 = tpu.memref_slice %arg13[%dma_start3A] : memref<5008xi32, #tpu.memory_space<vmem>> -> memref<5000xi32, #tpu.memory_space<vmem>>
      %dma_start3A_671 = tpu.memref_slice %arg11[%add3A_36] : memref<160000xi32, #tpu.memory_space<hbm>> -> memref<5000xi32, #tpu.memory_space<hbm>>
      %dma_start3A_672 = tpu.memref_slice %arg11[%add3A_36] : memref<160000xi32, #tpu.memory_space<hbm>> -> memref<5000xi32, #tpu.memory_space<hbm>>
      %dma_start3A_673 = arith.constant 0 : i32
      %dma_start3A_674 = tpu.memref_slice %arg13[%dma_start3A_673] : memref<5008xi32, #tpu.memory_space<vmem>> -> memref<5000xi32, #tpu.memory_space<vmem>>
      tpu.enqueue_dma source(%dma_start3A_674 : memref<5000xi32, #tpu.memory_space<vmem>>) target(%dma_start3A_672 : memref<5000xi32, #tpu.memory_space<hbm>>) target_semaphore(%run_scoped3A : memref<!tpu.dma_semaphore, #tpu.memory_space<semaphore_mem>>)
      %dma_wait3A = arith.constant 0 : i32
      %dma_wait3A_675 = tpu.memref_slice %arg13[%dma_wait3A] : memref<5008xi32, #tpu.memory_space<vmem>> -> memref<5000xi32, #tpu.memory_space<vmem>>
      %dma_wait3A_676 = tpu.memref_slice %arg11[%add3A_36] : memref<160000xi32, #tpu.memory_space<hbm>> -> memref<5000xi32, #tpu.memory_space<hbm>>
      %dma_wait3A_677 = tpu.memref_slice %arg11[%add3A_36] : memref<160000xi32, #tpu.memory_space<hbm>> -> memref<5000xi32, #tpu.memory_space<hbm>>
      %dma_wait3A_678 = arith.constant 0 : i32
      %dma_wait3A_679 = tpu.memref_slice %arg13[%dma_wait3A_678] : memref<5008xi32, #tpu.memory_space<vmem>> -> memref<5000xi32, #tpu.memory_space<vmem>>
      tpu.wait_dma2 semaphore(%run_scoped3A : memref<!tpu.dma_semaphore, #tpu.memory_space<semaphore_mem>>) src(%dma_wait3A_679 : memref<5000xi32, #tpu.memory_space<vmem>>) dst(%dma_wait3A_677 : memref<5000xi32, #tpu.memory_space<hbm>>)
      tpu.yield
    }) : () -> ()
    return
  }
}

module attributes {stable_mosaic.version = 14 : i64} {
  func.func @_tc_body(%arg0: i32, %arg1: memref<4x20000xf32, #tpu.memory_space<vmem>>, %arg2: memref<1x100x4xf32, #tpu.memory_space<vmem>>, %arg3: memref<1x1x20000xi32, #tpu.memory_space<vmem>>, %arg4: memref<1x112x1xi32, #tpu.memory_space<vmem>>) attributes {dimension_semantics = [#tpu.dimension_semantics<arbitrary>], iteration_bounds = array<i64: 8>, scalar_prefetch = 0 : i64, scratch_operands = 0 : i64, tpu.core_type = #tpu.core_type<tc>, window_params = [{pipeline_mode = #tpu.pipeline_mode<synchronous>, transform_indices = @transform_0, window_bounds = array<i64: 4, 20000>}, {transform_indices = @transform_1, window_bounds = array<i64: 1, 100, 4>}, {transform_indices = @transform_2, window_bounds = array<i64: 1, 1, 20000>}, {transform_indices = @transform_3, window_bounds = array<i64: 1, 112, 1>}]} {
    %get3A = arith.constant 0 : index
    %get3A_0 = arith.constant 0 : index
    %get3A_1 = vector.load %arg1[%get3A, %get3A_0] : memref<4x20000xf32, #tpu.memory_space<vmem>>, vector<1x20000xf32>
    %get3A_2 = arith.constant 1 : index
    %get3A_3 = arith.constant 0 : index
    %get3A_4 = vector.load %arg1[%get3A_2, %get3A_3] : memref<4x20000xf32, #tpu.memory_space<vmem>>, vector<1x20000xf32>
    %get3A_5 = arith.constant 2 : index
    %get3A_6 = arith.constant 0 : index
    %get3A_7 = vector.load %arg1[%get3A_5, %get3A_6] : memref<4x20000xf32, #tpu.memory_space<vmem>>, vector<1x20000xf32>
    %get3A_8 = arith.constant 3 : index
    %get3A_9 = arith.constant 0 : index
    %get3A_10 = vector.load %arg1[%get3A_8, %get3A_9] : memref<4x20000xf32, #tpu.memory_space<vmem>>, vector<1x20000xf32>
    %mul3A = arith.constant 5.000000e-01 : f32
    %mul3A_11 = vector.broadcast %mul3A : f32 to vector<1x20000xf32>
    %mul3A_12 = arith.mulf %get3A_7, %mul3A_11 : vector<1x20000xf32>
    %sub3A = arith.subf %get3A_1, %mul3A_12 : vector<1x20000xf32>
    %mul3A_13 = arith.constant 5.000000e-01 : f32
    %mul3A_14 = vector.broadcast %mul3A_13 : f32 to vector<1x20000xf32>
    %mul3A_15 = arith.mulf %get3A_10, %mul3A_14 : vector<1x20000xf32>
    %sub3A_16 = arith.subf %get3A_4, %mul3A_15 : vector<1x20000xf32>
    %mul3A_17 = arith.constant 5.000000e-01 : f32
    %mul3A_18 = vector.broadcast %mul3A_17 : f32 to vector<1x20000xf32>
    %mul3A_19 = arith.mulf %get3A_7, %mul3A_18 : vector<1x20000xf32>
    %add3A = arith.addf %get3A_1, %mul3A_19 : vector<1x20000xf32>
    %mul3A_20 = arith.constant 5.000000e-01 : f32
    %mul3A_21 = vector.broadcast %mul3A_20 : f32 to vector<1x20000xf32>
    %mul3A_22 = arith.mulf %get3A_10, %mul3A_21 : vector<1x20000xf32>
    %add3A_23 = arith.addf %get3A_4, %mul3A_22 : vector<1x20000xf32>
    %mul3A_24 = arith.mulf %get3A_7, %get3A_10 : vector<1x20000xf32>
    %get3A_25 = arith.constant 0 : index
    %get3A_26 = arith.constant 0 : index
    %get3A_27 = arith.constant 0 : index
    %get3A_28 = vector.load %arg2[%get3A_25, %get3A_26, %get3A_27] : memref<1x100x4xf32, #tpu.memory_space<vmem>>, vector<1x100x1xf32>
    %get3A_29 = vector.shape_cast %get3A_28 : vector<1x100x1xf32> to vector<100x1xf32>
    %get3A_30 = arith.constant 0 : index
    %get3A_31 = arith.constant 0 : index
    %get3A_32 = arith.constant 1 : index
    %get3A_33 = vector.load %arg2[%get3A_30, %get3A_31, %get3A_32] : memref<1x100x4xf32, #tpu.memory_space<vmem>>, vector<1x100x1xf32>
    %get3A_34 = vector.shape_cast %get3A_33 : vector<1x100x1xf32> to vector<100x1xf32>
    %get3A_35 = arith.constant 0 : index
    %get3A_36 = arith.constant 0 : index
    %get3A_37 = arith.constant 2 : index
    %get3A_38 = vector.load %arg2[%get3A_35, %get3A_36, %get3A_37] : memref<1x100x4xf32, #tpu.memory_space<vmem>>, vector<1x100x1xf32>
    %get3A_39 = vector.shape_cast %get3A_38 : vector<1x100x1xf32> to vector<100x1xf32>
    %get3A_40 = arith.constant 0 : index
    %get3A_41 = arith.constant 0 : index
    %get3A_42 = arith.constant 3 : index
    %get3A_43 = vector.load %arg2[%get3A_40, %get3A_41, %get3A_42] : memref<1x100x4xf32, #tpu.memory_space<vmem>>, vector<1x100x1xf32>
    %get3A_44 = vector.shape_cast %get3A_43 : vector<1x100x1xf32> to vector<100x1xf32>
    %sub3A_45 = arith.subf %get3A_39, %get3A_29 : vector<100x1xf32>
    %sub3A_46 = arith.subf %get3A_44, %get3A_34 : vector<100x1xf32>
    %mul3A_47 = arith.mulf %sub3A_45, %sub3A_46 : vector<100x1xf32>
    %max3A = vector.broadcast %sub3A : vector<1x20000xf32> to vector<100x20000xf32>
    %max3A_48 = vector.broadcast %get3A_29 : vector<100x1xf32> to vector<100x20000xf32>
    %max3A_49 = arith.maximumf %max3A, %max3A_48 : vector<100x20000xf32>
    %max3A_50 = vector.broadcast %sub3A_16 : vector<1x20000xf32> to vector<100x20000xf32>
    %max3A_51 = vector.broadcast %get3A_34 : vector<100x1xf32> to vector<100x20000xf32>
    %max3A_52 = arith.maximumf %max3A_50, %max3A_51 : vector<100x20000xf32>
    %min3A = vector.broadcast %add3A : vector<1x20000xf32> to vector<100x20000xf32>
    %min3A_53 = vector.broadcast %get3A_39 : vector<100x1xf32> to vector<100x20000xf32>
    %min3A_54 = arith.minimumf %min3A, %min3A_53 : vector<100x20000xf32>
    %min3A_55 = vector.broadcast %add3A_23 : vector<1x20000xf32> to vector<100x20000xf32>
    %min3A_56 = vector.broadcast %get3A_44 : vector<100x1xf32> to vector<100x20000xf32>
    %min3A_57 = arith.minimumf %min3A_55, %min3A_56 : vector<100x20000xf32>
    %sub3A_58 = arith.subf %min3A_54, %max3A_49 : vector<100x20000xf32>
    %max3A_59 = arith.constant 0.000000e+00 : f32
    %max3A_60 = vector.broadcast %max3A_59 : f32 to vector<100x20000xf32>
    %max3A_61 = arith.maximumf %sub3A_58, %max3A_60 : vector<100x20000xf32>
    %sub3A_62 = arith.subf %min3A_57, %max3A_52 : vector<100x20000xf32>
    %max3A_63 = arith.constant 0.000000e+00 : f32
    %max3A_64 = vector.broadcast %max3A_63 : f32 to vector<100x20000xf32>
    %max3A_65 = arith.maximumf %sub3A_62, %max3A_64 : vector<100x20000xf32>
    %mul3A_66 = arith.mulf %max3A_61, %max3A_65 : vector<100x20000xf32>
    %add3A_67 = vector.broadcast %mul3A_24 : vector<1x20000xf32> to vector<100x20000xf32>
    %add3A_68 = vector.broadcast %mul3A_47 : vector<100x1xf32> to vector<100x20000xf32>
    %add3A_69 = arith.addf %add3A_67, %add3A_68 : vector<100x20000xf32>
    %sub3A_70 = arith.subf %add3A_69, %mul3A_66 : vector<100x20000xf32>
    %div3A = arith.divf %mul3A_66, %sub3A_70 : vector<100x20000xf32>
    %iota3A = tpu.iota {dimensions = array<i32: 0>} : vector<100x20000xi32>
    %iota3A_71 = tpu.iota {dimensions = array<i32: 1>} : vector<100x20000xi32>
    %reduce_max3A = arith.constant dense<0xFF800000> : vector<20000xf32>
    %reduce_max3A_72 = vector.multi_reduction <maximumf>, %div3A, %reduce_max3A [0] : vector<100x20000xf32> to vector<20000xf32>
    %broadcast_in_dim3A = vector.shape_cast %reduce_max3A_72 : vector<20000xf32> to vector<1x20000xf32>
    %eq3A = vector.broadcast %broadcast_in_dim3A : vector<1x20000xf32> to vector<100x20000xf32>
    %eq3A_73 = arith.cmpf oeq, %div3A, %eq3A : vector<100x20000xf32>
    %jit3A = arith.constant 100 : i32
    %broadcast_in_dim3A_74 = vector.broadcast %jit3A : i32 to vector<100x20000xi32>
    %select_n3A = arith.select %eq3A_73, %iota3A, %broadcast_in_dim3A_74 : vector<100x20000xi1>, vector<100x20000xi32>
    %reduce_min3A = arith.constant dense<2147483647> : vector<20000xi32>
    %reduce_min3A_75 = vector.multi_reduction <minsi>, %select_n3A, %reduce_min3A [0] : vector<100x20000xi32> to vector<20000xi32>
    %broadcast_in_dim3A_76 = vector.shape_cast %reduce_min3A_75 : vector<20000xi32> to vector<1x20000xi32>
    %reduce_max3A_77 = arith.constant dense<0xFF800000> : vector<100xf32>
    %reduce_max3A_78 = vector.multi_reduction <maximumf>, %div3A, %reduce_max3A_77 [1] : vector<100x20000xf32> to vector<100xf32>
    %broadcast_in_dim3A_79 = vector.shape_cast %reduce_max3A_78 : vector<100xf32> to vector<100x1xf32>
    %eq3A_80 = vector.broadcast %broadcast_in_dim3A_79 : vector<100x1xf32> to vector<100x20000xf32>
    %eq3A_81 = arith.cmpf oeq, %div3A, %eq3A_80 : vector<100x20000xf32>
    %jit3A_82 = arith.constant 20000 : i32
    %broadcast_in_dim3A_83 = vector.broadcast %jit3A_82 : i32 to vector<100x20000xi32>
    %select_n3A_84 = arith.select %eq3A_81, %iota3A_71, %broadcast_in_dim3A_83 : vector<100x20000xi1>, vector<100x20000xi32>
    %reduce_min3A_85 = arith.constant dense<2147483647> : vector<100xi32>
    %reduce_min3A_86 = vector.multi_reduction <minsi>, %select_n3A_84, %reduce_min3A_85 [1] : vector<100x20000xi32> to vector<100xi32>
    %broadcast_in_dim3A_87 = vector.shape_cast %reduce_min3A_86 : vector<100xi32> to vector<100x1xi32>
    %lt3A = arith.constant 5.000000e-01 : f32
    %lt3A_88 = vector.broadcast %lt3A : f32 to vector<1x20000xf32>
    %lt3A_89 = arith.cmpf olt, %broadcast_in_dim3A, %lt3A_88 : vector<1x20000xf32>
    %convert_element_type3A = arith.extui %lt3A_89 : vector<1x20000xi1> to vector<1x20000xi32>
    %shift_left3A = arith.constant 16 : i32
    %shift_left3A_90 = vector.broadcast %shift_left3A : i32 to vector<1x20000xi32>
    %shift_left3A_91 = arith.shli %convert_element_type3A, %shift_left3A_90 : vector<1x20000xi32>
    %or3A = arith.ori %broadcast_in_dim3A_76, %shift_left3A_91 : vector<1x20000xi32>
    %swap3A = arith.constant 0 : index
    %swap3A_92 = arith.constant 0 : index
    %swap3A_93 = arith.constant 0 : index
    %swap3A_94 = vector.load %arg3[%swap3A, %swap3A_92, %swap3A_93] : memref<1x1x20000xi32, #tpu.memory_space<vmem>>, vector<1x1x20000xi32>
    %swap3A_95 = vector.shape_cast %swap3A_94 : vector<1x1x20000xi32> to vector<1x20000xi32>
    %swap3A_96 = vector.shape_cast %or3A : vector<1x20000xi32> to vector<1x1x20000xi32>
    tpu.vector_store %arg3[%swap3A, %swap3A_92, %swap3A_93], %swap3A_96 {strides = array<i32>} : memref<1x1x20000xi32, #tpu.memory_space<vmem>>, vector<1x1x20000xi32>,
    %broadcast_in_dim3A_97 = arith.constant 20000 : i32
    %broadcast_in_dim3A_98 = vector.broadcast %broadcast_in_dim3A_97 : i32 to vector<12x1xi32>
    %concatenate3A = tpu.concatenate %broadcast_in_dim3A_87, %broadcast_in_dim3A_98 in 0 : vector<100x1xi32>, vector<12x1xi32> -> vector<112x1xi32>
    %swap3A_99 = arith.constant 0 : index
    %swap3A_100 = arith.constant 0 : index
    %swap3A_101 = arith.constant 0 : index
    %swap3A_102 = vector.load %arg4[%swap3A_99, %swap3A_100, %swap3A_101] : memref<1x112x1xi32, #tpu.memory_space<vmem>>, vector<1x112x1xi32>
    %swap3A_103 = vector.shape_cast %swap3A_102 : vector<1x112x1xi32> to vector<112x1xi32>
    %swap3A_104 = vector.shape_cast %concatenate3A : vector<112x1xi32> to vector<1x112x1xi32>
    tpu.vector_store %arg4[%swap3A_99, %swap3A_100, %swap3A_101], %swap3A_104 {strides = array<i32>} : memref<1x112x1xi32, #tpu.memory_space<vmem>>, vector<1x112x1xi32>,
    return
  }
  func.func @transform_0(%arg0: i32) -> (i32, i32) {
    %c0_i32 = arith.constant 0 : i32
    %c0_i32_0 = arith.constant 0 : i32
    %c0_i32_1 = arith.constant 0 : i32
    return %c0_i32, %c0_i32_0 : i32, i32
  }
  func.func @transform_1(%arg0: i32) -> (i32, i32, i32) {
    %c0_i32 = arith.constant 0 : i32
    %c0_i32_0 = arith.constant 0 : i32
    %c0_i32_1 = arith.constant 0 : i32
    return %arg0, %c0_i32, %c0_i32_0 : i32, i32, i32
  }
  func.func @transform_2(%arg0: i32) -> (i32, i32, i32) {
    %c0_i32 = arith.constant 0 : i32
    %c0_i32_0 = arith.constant 0 : i32
    %c0_i32_1 = arith.constant 0 : i32
    return %arg0, %c0_i32, %c0_i32_0 : i32, i32, i32
  }
  func.func @transform_3(%arg0: i32) -> (i32, i32, i32) {
    %c0_i32 = arith.constant 0 : i32
    %c0_i32_0 = arith.constant 0 : i32
    %c0_i32_1 = arith.constant 0 : i32
    return %arg0, %c0_i32, %c0_i32_0 : i32, i32, i32
  }
}

</mosaic_0001>

<sc_bundles>
// kernel: kernel.4.cloned.1.call-start
scs
__scs_entry_jumppad:
0x0: {  	(pc) =	sbr.rel $0x88, $3  }
0x1: {  	(tag) =	ssettag $0x0;
	lr =	simm.s32 $0x1  }
0x2: {  	[smem:$0x3F9E] =	sst lr;
	_ =	strace $0xD0000000  }
0x3: {  	_ = 	snop  }
0x4: {  	_ = 	snop  }
0x5: {  	_ = 	snop  }
0x6: {  	_ = 	snop  }
0x7: {  	_ = 	snop  }
__scs_overlays_trampoline_lowered:
0x8: {  	[smem:$0x3FAD] =	sst s0  }
0x9: {  	[smem:$0x3FAE] =	sst s1  }
0xa: {  	[smem:$0x3FAF] =	sst s2  }
0xb: {  	[smem:$0x3FB0] =	sst s3  }
0xc: {  	[smem:$0x3FB1] =	sst s4  }
0xd: {  	[smem:$0x3FB2] =	sst s5  }
0xe: {  	[smem:$0x3FB3] =	sst s6  }
0xf: {  	[smem:$0x3FB4] =	sst s7  }
0x10: {  	[smem:$0x3FB5] =	sst s8  }
0x11: {  	[smem:$0x3FB6] =	sst s9;
	s0 =	simm.s32 @!p0 $0x0  }
0x12: {  	s1 =	sld [smem:$0x3F9C];
	s0 =	simm.s32 @p0 $0x1  }
0x13: {  	[smem:$0x3FB7] =	sst s0;
	s0 =	simm.s32 @!p1 $0x0  }
0x14: {  	s2 =	sld [smem:$0x3F9B];
	s0 =	simm.s32 @p1 $0x1  }
0x15: {  	[smem:$0x3FB8] =	sst s0;
	s0 =	simm.s32 @!p2 $0x0  }
0x16: {  	s3 =	sld [smem:$0x3FDB];
	s0 =	simm.s32 @p2 $0x1  }
0x17: {  	s4 =	simm.s32 $0x1BF5;
	[smem:$0x3FBA] =	sst s0  }
0x18: {  	s0 =	sld [smem:$0x3F9D];
	_ =	swait.ge [sflag:s4], $0x0  }
0x19: {  	s7 =	sld [smem:$0x3F9E]  }
0x1a: {  	s8 =	sadd.s32 $0xFFFFE003, lr  }
0x1b: {  	s9 =	sadd.s32 $0xFFFFFEF7, lr;
	s5 =	simm.s32 $0xFFFFFFFF;
	p2 =	slt.u32 s8, $0xFFFFF086  }
0x1c: {  	p1 =	slt.u32 s9, $0xF7A;
	s5 =	simm.s32 @!p2 $0x0  }
0x1d: {  	s5 =	simm.s32 @p1 $0x1;
	p0 =	seq.s32 s7, s2  }
0x1e: {  	s7 =	smul.u32 @!p0 $0xF7A, s2;
	p2 =	seq.s32 @!p0 s5, $0x0  }
0x1f: {  	s9 =	smul.u32 $0xF7A, s1;
	s8 =	simm.s32 @!p0 $0x1BF5;
	p2 =	por !p2, p0  }
0x20: {  	[sflag:s8] =	ssyncset.s32 @!p0 $0xFFFFF086;
	s6 =	sadd.s32 @!p0 s3, s7;
	s7 =	simm.s32 @!p0 $0x108  }
0x21: {  	s3 =	sadd.s32 s3, s9;
	s6 =	sadd.s32 @!p0 $0x88, s6;
	s7 =	simm.s32 @p2 $0x1082  }
0x22: {  	[simem:s7], [sflag:s8] =	dma.local @!p0 [hbm:s6], $0xF7A  }
0x23: {  	s9 =	sor.u32 $0xD0000000, s2;
	s6 =	simm.s32 $0x108;
	_ =	swait.ge @!p0 [sflag:s8], $0x0  }
0x24: {  	s3 =	sadd.s32 $0x88, s3;
	s6 =	simm.s32 @!p1 $0x1082;
	[sflag:s4] =	ssyncset.s32 $0xFFFFF086  }
0x25: {  	[simem:s6], [sflag:s4] =	dma.local [hbm:s3], $0xF7A  }
0x26: {  	[smem:$0x3F9E] =	sst s1;
	(tag) =	ssettag s2;
	_ =	strace s9  }
0x27: {  	s1 =	sld [smem:$0x3FAE]  }
0x28: {  	s2 =	sld [smem:$0x3FAF]  }
0x29: {  	s4 =	sld [smem:$0x3FB1]  }
0x2a: {  	p0 =	seq.s32 s5, $0x0;
	s5 =	sld [smem:$0x3FB2]  }
0x2b: {  	s6 =	sld [smem:$0x3FB3]  }
0x2c: {  	s7 =	sld [smem:$0x3FB4]  }
0x2d: {  	s3 =	simm.s32 $0x108;
	s8 =	sld [smem:$0x3FB5]  }
0x2e: {  	s3 =	simm.s32 @!p0 $0x1082;
	s9 =	sld [smem:$0x3FB6]  }
0x2f: {  	lr =	sadd.s32 s0, s3;
	s0 =	sld [smem:$0x3FAD]  }
0x30: {  	s3 =	sld [smem:$0x3FB0]  }
0x31: {  	[smem:$0x3FB9] =	sst s10  }
0x32: {  	s10 =	sld [smem:$0x3FB7];
	_ =	sdelay $0x3  }
0x33: {  	p0 =	seq.s32 s10, $0x1;
	s10 =	sld [smem:$0x3FB9];
	_ =	sdelay $0x3  }
0x34: {  	[smem:$0x3FB9] =	sst s10  }
0x35: {  	s10 =	sld [smem:$0x3FB8];
	_ =	sdelay $0x3  }
0x36: {  	p1 =	seq.s32 s10, $0x1;
	s10 =	sld [smem:$0x3FB9];
	_ =	sdelay $0x3  }
0x37: {  	[smem:$0x3FB9] =	sst s10  }
0x38: {  	s10 =	sld [smem:$0x3FBA]  }
0x39: {  	_ = 	snop;
	(pc) =	sbr.ind lr, $3  }
0x3a: {  	_ = 	snop  }
0x3b: {  	_ = 	snop  }
0x3c: {  	p2 =	seq.s32 s10, $0x1;
	s10 =	sld [smem:$0x3FB9]  }
0x3d: {  	_ =	shalt  }
0x3e: {  	_ =	shalt  }
0x3f: {  	_ =	shalt  }
0x40: {  	_ =	shalt  }
0x41: {  	_ =	shalt  }
0x42: {  	_ =	shalt  }
0x43: {  	_ =	shalt  }
0x44: {  	_ =	shalt  }
0x45: {  	_ =	shalt  }
0x46: {  	_ =	shalt  }
0x47: {  	_ =	shalt  }
0x48: {  	_ =	shalt  }
0x49: {  	_ =	shalt  }
0x4a: {  	_ =	shalt  }
0x4b: {  	_ =	shalt  }
0x4c: {  	_ =	shalt  }
0x4d: {  	_ =	shalt  }
0x4e: {  	_ =	shalt  }
0x4f: {  	_ =	shalt  }
0x50: {  	_ =	shalt  }
0x51: {  	_ =	shalt  }
0x52: {  	_ =	shalt  }
0x53: {  	_ =	shalt  }
0x54: {  	_ =	shalt  }
0x55: {  	_ =	shalt  }
0x56: {  	_ =	shalt  }
0x57: {  	_ =	shalt  }
0x58: {  	_ =	shalt  }
0x59: {  	_ =	shalt  }
0x5a: {  	_ =	shalt  }
0x5b: {  	_ =	shalt  }
0x5c: {  	_ =	shalt  }
0x5d: {  	_ =	shalt  }
0x5e: {  	_ =	shalt  }
0x5f: {  	_ =	shalt  }
0x60: {  	_ =	shalt  }
0x61: {  	_ =	shalt  }
0x62: {  	_ =	shalt  }
0x63: {  	_ =	shalt  }
0x64: {  	_ =	shalt  }
0x65: {  	_ =	shalt  }
0x66: {  	_ =	shalt  }
0x67: {  	_ =	shalt  }
0x68: {  	_ =	shalt  }
0x69: {  	_ =	shalt  }
0x6a: {  	_ =	shalt  }
0x6b: {  	_ =	shalt  }
0x6c: {  	_ =	shalt  }
0x6d: {  	_ =	shalt  }
0x6e: {  	_ =	shalt  }
0x6f: {  	_ =	shalt  }
0x70: {  	_ =	shalt  }
0x71: {  	_ =	shalt  }
0x72: {  	_ =	shalt  }
0x73: {  	_ =	shalt  }
0x74: {  	_ =	shalt  }
0x75: {  	_ =	shalt  }
0x76: {  	_ =	shalt  }
0x77: {  	_ =	shalt  }
0x78: {  	_ =	shalt  }
0x79: {  	_ =	shalt  }
0x7a: {  	_ =	shalt  }
0x7b: {  	_ =	shalt  }
0x7c: {  	_ =	shalt  }
0x7d: {  	_ =	shalt  }
0x7e: {  	_ =	shalt  }
0x7f: {  	_ =	shalt  }
0x80: {  	_ =	shalt  }
0x81: {  	_ =	shalt  }
0x82: {  	_ =	shalt  }
0x83: {  	_ =	shalt  }
0x84: {  	_ =	shalt  }
0x85: {  	_ =	shalt  }
0x86: {  	_ =	shalt  }
0x87: {  	_ =	shalt  }
.Lfunc_end0:
.L_simem_size_0:
called_computation_lowered:
.L_overlay_start_0:
0x88: {  	s2 =	sld [smem:$0x3FD9]  }
0x89: {  	s3 =	sld [smem:$0x3FFE];
	_ =	sdelay $0x1  }
0x8a: {  	s1 =	srdreg.scid  }
0x8b: {  	s0 =	sand.u32 $0x1, s1  }
0x8c: {  	s14 =	sshll.u32 s0, $0xA;
	s2 =	sadd.s32 s3, s2  }
0x8d: {  	s2 =	sadd.s32 s2, s14  }
0x8e: {  	[smem:$0x3FC5] =	sst s2  }
0x8f: {  	_ = 	snop  }
0x90: {  	s2 =	sld [smem:$0x3FD0];
	_ =	sdelay $0x2  }
0x91: {  	s15 =	simm.s32 $0xA;
	s4 =	simm.s32 $0x10  }
0x92: {  	[smem:s4], [sflag:s15] =	dma.local [hbm:s2], $0x1  }
0x93: {  	_ =	swait.eq [sflag:s15], $0x1  }
0x94: {  	[sflag:s15] =	ssyncset.done $0x0  }
0x95: {  	s16 =	sld [smem:$0x10];
	[sflag:s15] =	ssyncadd.s32 $0xFFFFFFFF  }
0x96: {  	s17 =	sld [smem:$0x11];
	(tm) =	ssettm $0x1  }
0x97: {  	s18 =	sld [smem:$0x3FFB];
	_ =	sdelay $0x3  }
0x98: {  	_ =	strace s18  }
0x99: {  	s4 =	sld [smem:$0x3FFC];
	_ =	sdelay $0x3  }
0x9a: {  	_ =	strace s4  }
0x9b: {  	s4 =	sld [smem:$0x3FFD];
	_ =	sdelay $0x3  }
0x9c: {  	_ =	strace s4  }
0x9d: {  	_ =	strace $0x8FFFFFFF  }
0x9e: {  	s19 =	sld [smem:$0x3FDB];
	_ =	sdelay $0x1  }
0x9f: {  	s5 =	simm.s32 $_scs_section_size  }
0xa0: {  	s6 =	simm.s32 $_size__tile_overlayer_lowered;
	s7 =	simm.s32 $_tile_overlayer_lowered  }
0xa1: {  	s22 =	simm.s32 $0x1BFF;
	s21 =	sshll.u32 s7, $0x1;
	s4 =	sadd.s32 s5, s19  }
0xa2: {  	s8 =	simm.s32 $0x0;
	s20 =	sshll.u32 s6, $0x1;
	s6 =	sadd.s32 s21, s4  }
0xa3: {  	[timem:s8], [sflag:s22] =	dma.local [hbm:s6], s20  }
0xa4: {  	_ =	swait.ge [sflag:s22], s20  }
0xa5: {  	s5 =	ssub.s32 $0x0, s20;
	[sflag:s22] =	ssyncset.done $0x0  }
0xa6: {  	[sflag:s22] =	ssyncadd.s32 s5;
	_ =	sdelay $0x1  }
0xa7: {  	s23 =	simm.s32 $0x1B8B  }
0xa8: {  	_ =	swait.ge [sflag:s23], $0x1  }
0xa9: {  	[sflag:s23] =	ssyncset.done $0x0  }
0xaa: {  	s25 =	simm.s32 $0x1B8E;
	s24 =	sld [smem:$0x3FFE];
	[sflag:s23] =	ssyncadd.s32 $0xFFFFFFFF  }
0xab: {  	s26 =	simm.s32 $execute0_lowered;
	[smem:$0x3FD2] =	sst s25  }
0xac: {  	s6 =	sshll.u32 s26, $0x1;
	_ =	strace $0x80000046;
	[dreg:$0x1] =	wrdreg $0xFFFFFFFF  }
0xad: {  	s28 =	simm.s32 $_size_execute0_lowered;
	s4 =	sadd.s32 s4, s6;
	[dreg:$0x0] =	wrdreg $0x0  }
0xae: {  	s6 =	sshll.u32 s28, $0x1;
	[dreg:$0x2] =	wrdreg s4  }
0xaf: {  	[dreg:$0x3] =	wrdreg s6  }
0xb0: {  	[dreg:$0x4] =	wrdreg $0xC0  }
0xb1: {  	_ =	task [dreg:s8], $0x5FFFF  }
0xb2: {  	[dreg:$0x1] =	wrdreg $0xFFFFFFFF  }
0xb3: {  	[dreg:$0x0] =	wrdreg $0x60  }
0xb4: {  	[dreg:$0x2] =	wrdreg s17  }
0xb5: {  	[dreg:$0x3] =	wrdreg s24  }
0xb6: {  	[dreg:$0x4] =	wrdreg s16  }
0xb7: {  	[dreg:$0x5] =	wrdreg $0x9  }
0xb8: {  	_ =	task.clear_ibuf [dreg:s8], $0x6FFFF;
	_ =	strace $0x90000046  }
0xb9: {  	s29 =	simm.s32 $0x9;
	_ =	strace $0x80000048  }
0xba: {  	_ =	swait.ge [sflag:s29], $0x1  }
0xbb: {  	[sflag:s29] =	ssyncadd.s32 $0xFFFFFFFF  }
0xbc: {  	_ =	strace $0x90000048  }
0xbd: {  	_ =	sfence  }
0xbe: {  	s30 =	sld [smem:$0x0];
	_ =	sdelay $0x2  }
0xbf: {  	s31 =	sshll.u32 s1, $0xD;
	s1 =	sshrl.u32 s1, $0x2  }
0xc0: {  	s3 =	sand.u32 $0x4000, s31;
	s1 =	sadd.s32 s1, s30  }
0xc1: {  	s0 =	sor.u32 s3, s0;
	s1 =	sshll.u32 s1, $0x11  }
0xc2: {  	s0 =	sor.u32 s1, s0  }
0xc3: {  	s0 =	sadd.s32 $0x8F2B, s0  }
0xc4: {  	[sflag:s0] =	ssyncadd.remote.s32 $0x1  }
0xc5: {  	_ =	sfence.sel $0xFFFF  }
0xc6: {  	[dreg:$0x0] =	wrdreg $0xFFFFFFFF;
	(pc) =	sbr.abs _section_cstart, $3  }
0xc7: {  	[dreg:$0x1] =	wrdreg $0xFFFFFFFF  }
0xc8: {  	_ =	task.clear_ibuf [dreg:s8], $0x2FFFF;
	_ =	strace $0x9FFFFFFF  }
0xc9: {  	(tm) =	ssettm $0x7FFFFFFF  }
tec
execute0_lowered:
.L_overlay_start_1:
0x0: {  	(tag) =	ssettag $0x1  }
0x1: {  	s0 =	rddreg [dreg:$0x0]  }
0x2: {  	s5 =	stileid.u32;
	s1 =	rddreg [dreg:$0x1]  }
0x3: {  	s2 =	srdreg.scid;
	s8 =	rddreg [dreg:$0x2]  }
0x4: {  	s17 =	simm.s32 $0x1;
	s20 =	simm.s32 $0x5000;
	s21 =	simm.s32 $0x6400  }
0x5: {  	s28 =	simm.s32 $0xA300;
	s3 =	sshll.u32 s5, $0x1;
	s5 =	sshrl.u32 s5, $0x1  }
0x6: {  	s29 =	simm.s32 $0xB700;
	s30 =	simm.s32 $0x1400;
	s23 =	smul.u32 $0x13880, s5  }
0x7: {  	s31 =	simm.s32 $0x0;
	s4 =	sand.u32 $0x1, s2;
	s6 =	smul.u32 $0x38, s5  }
0x8: {  	s2 =	simm.s32 $0x0;
	s22 =	sand.u32 $0x2, s3;
	s10 =	smul.u32 $0x4E20, s5  }
0x9: {  	[smem:$0x7FF] =	sst s2;
	s26 =	smul.u32 $0xE, s5;
	s3 =	sor.u32 s4, s22  }
0xa: {  	_ =	strace $0x80000047;
	s4 =	ssub.s32 $0x2, s4;
	s22 =	simm.s32 $0x7800  }
0xb: {  	s7 =	smul.u32 $0x1388, s3;
	s11 =	sadd.s32 s6, s1;
	s25 =	sshrl.u32 s4, $0x1  }
0xc: {  	s6 =	sadd.s32 s1, s26;
	s26 =	simm.s32 $0x8F00;
	s16 =	ssub.s32 s4, s25  }
0xd: {  	s25 =	simm.s32 $0x7B00;
	s9 =	sshrl.u32 s7, $0x3;
	s3 =	sadd.s32 s23, s7  }
0xe: {  	s24 =	sadd.s32 s10, s7;
	s10 =	sadd.s32 $0x2000, s11;
	s16 =	smax.u32 s16, $0x1  }
0xf: {  	s23 =	simm.s32 $0x7880;
	s12 =	sadd.s32 s9, s1;
	s3 =	sshrl.u32 s3, $0x3  }
0x10: {  	vm0 =	vmmov $0x1;
	v1 =	vimm.s32 $0x0;
	s8 =	sadd.s32 s8, s9;
	s9 =	sadd.s32 $0x2200, s6;
	s14 =	sadd.s32 s3, s1  }
0x11: {  	v1 =	vsel vm0, $0xFFFFFFFF, v1;
	s3 =	sshrl.u32 s24, $0x3;
	s4 =	sadd.s32 $0x1600, s12;
	s5 =	sadd.s32 $0xC00, s12  }
0x12: {  	v8 =	vimm.f32 $0.0e+00;
	[tilespmem:$0x1FFF0] =	vst v1;
	v1 =	vlaneseq.u32;
	v0 =	vmov s7;
	s7 =	sadd.s32 $0x200, s12;
	s24 =	simm.s32 $0x7A80;
	s15 =	sadd.s32 s3, s1  }
0x13: {  	v2 =	vor.u32 $0x10, v1;
	v3 =	vor.u32 $0x20, v1;
	v4 =	vor.u32 $0x30, v1;
	s3 =	sadd.s32 s0, s3;
	s11 =	sadd.s32 $0x2400, s14;
	s12 =	sadd.s32 $0x2DC4, s14  }
0x14: {  	v5 =	vor.u32 $0x40, v1;
	v6 =	vor.u32 $0x50, v1;
	v7 =	vor.u32 $0x60, v1;
	s13 =	sadd.s32 $0x3788, s14;
	s14 =	sadd.s32 $0x414C, s14;
	s15 =	sadd.s32 $0x15E00, s15  }
.LBB2_1:
0x15: {  	[tilespmem:s2], [sflag:$0x1] =	stream.linear.gather [hbm4b:s3+s2], $0x1388, $0x38;
	[tilespmem:$0xCB00] =	vst v63  }
0x16: {  	_ =	swait.ge [sflag:s17], $0x1388  }
0x17: {  	[sflag:s17] =	ssyncset.done $0x0  }
0x18: {  	s0 =	simm.s32 $0x2800;
	[sflag:s17] =	ssyncadd.s32 $0xFFFFEC78  }
0x19: {  	[tilespmem:s0], [sflag:$0x1] =	stream.linear.gather [hbm4b:s4+s2], $0x1388, $0x38;
	[tilespmem:$0xCB00] =	vst v63  }
0x1a: {  	_ =	swait.ge [sflag:s17], $0x1388  }
0x1b: {  	[sflag:s17] =	ssyncset.done $0x0  }
0x1c: {  	s19 =	simm.s32 $0x3C00;
	[sflag:s17] =	ssyncadd.s32 $0xFFFFEC78  }
0x1d: {  	[tilespmem:s19], [sflag:$0x1] =	stream.linear.gather [hbm4b:s5+s2], $0x1388, $0x38;
	[tilespmem:$0xCB00] =	vst v63  }
0x1e: {  	_ =	swait.ge [sflag:s17], $0x1388  }
0x1f: {  	[sflag:s17] =	ssyncset.done $0x0  }
0x20: {  	[sflag:s17] =	ssyncadd.s32 $0xFFFFEC78  }
0x21: {  	[tilespmem:s20], [sflag:$0x1] =	stream.linear.gather [hbm4b:s7+s2], $0x1388, $0x38;
	[tilespmem:$0xCB00] =	vst v63  }
0x22: {  	_ =	swait.ge [sflag:s17], $0x1388  }
0x23: {  	[sflag:s17] =	ssyncset.done $0x0  }
0x24: {  	[sflag:s17] =	ssyncadd.s32 $0xFFFFEC78  }
0x25: {  	[tilespmem:s21], [sflag:$0x1] =	stream.linear.gather [hbm4b:s8+s2], $0x1388, $0x38;
	[tilespmem:$0xCB00] =	vst v63  }
0x26: {  	_ =	swait.ge [sflag:s17], $0x1388  }
0x27: {  	[sflag:s17] =	ssyncset.done $0x0  }
0x28: {  	[sflag:s17] =	ssyncadd.s32 $0xFFFFEC78  }
0x29: {  	[tilespmem:s22], [sflag:$0x1] =	stream.linear.gather [hbm4b:s9+s2], $0x70, $0x38;
	[tilespmem:$0xCB00] =	vst v63  }
0x2a: {  	_ =	swait.ge [sflag:s17], $0x70  }
0x2b: {  	[sflag:s17] =	ssyncset.done $0x0  }
0x2c: {  	[sflag:s17] =	ssyncadd.s32 $0xFFFFFF90  }
0x2d: {  	[tilespmem:s23], [sflag:$0x1] =	stream.linear.gather [hbm4b:s10+s2], $0x1C0, $0x38;
	[tilespmem:$0xCB00] =	vst v63  }
0x2e: {  	_ =	swait.ge [sflag:s17], $0x1C0  }
0x2f: {  	[sflag:s17] =	ssyncset.done $0x0  }
0x30: {  	[sflag:s17] =	ssyncadd.s32 $0xFFFFFE40  }
0x31: {  	[tilespmem:s24], [sflag:$0x1] =	stream.linear.gather [hbm4b:s6+s2], $0x70, $0x38;
	[tilespmem:$0xCB00] =	vst v63  }
0x32: {  	_ =	swait.ge [sflag:s17], $0x70  }
0x33: {  	[sflag:s17] =	ssyncset.done $0x0  }
0x34: {  	[sflag:s17] =	ssyncadd.s32 $0xFFFFFF90  }
0x35: {  	v9 =	vld [tilespmem:$0x7800]  }
0x36: {  	v10 =	vld [tilespmem:$0x1FFF0];
	_ =	sdelay $0x3  }
0x37: {  	v9 =	vsub.s32 v9, v0  }
0x38: {  	vm0 =	vnez.u8 v10;
	vm5 =	vlt.u32 v9, $0x1388;
	vm6 =	vgt.s32 v9, $0x0  }
0x39: {  	vm2 =	vcmask $0x704;
	v9 =	vnsel vm6, $0x0, v9;
	vm6 =	vmand vm5, vm0  }
0x3a: {  	vm3 =	vcmask $0xB08;
	vm7 =	vmand vm5, vm2;
	v9 =	vmin.u32 v9, $0x1387  }
0x3b: {  	vm4 =	vcmask $0xF0C;
	vm8 =	vmand vm5, vm3  }
0x3c: {  	vm12 =	vcmask $0x1310;
	vm9 =	vmand vm5, vm4  }
0x3d: {  	vm13 =	vcmask $0x1714;
	vm10 =	vmand vm5, vm12  }
0x3e: {  	vm11 =	vmand vm5, vm13  }
0x3f: {  	vm14 =	vcmask $0x1B18;
	[tilespmem:v9+s2+$0x0] =	vst.idx.msk vm6, v1  }
0x40: {  	vm15 =	vcmask $0x1F1C;
	vm6 =	vmand vm5, vm14;
	[tilespmem:v9+s2+$0x0] =	vst.idx.msk vm7, v1  }
0x41: {  	vm7 =	vmand vm5, vm15;
	vm15 =	vcmask $0x2320;
	[tilespmem:v9+s2+$0x0] =	vst.idx.msk vm8, v1  }
0x42: {  	vm8 =	vmand vm5, vm15;
	[tilespmem:v9+s2+$0x0] =	vst.idx.msk vm9, v1;
	vm9 =	vcmask $0x2724  }
0x43: {  	vm9 =	vmand vm5, vm9;
	[tilespmem:v9+s2+$0x0] =	vst.idx.msk vm10, v1;
	vm10 =	vcmask $0x2B28  }
0x44: {  	vm10 =	vmand vm5, vm10;
	[tilespmem:v9+s2+$0x0] =	vst.idx.msk vm11, v1;
	vm11 =	vcmask $0x2F2C  }
0x45: {  	vm12 =	vcmask $0x3330;
	vm11 =	vmand vm5, vm11  }
0x46: {  	vm1 =	vcmask $0x3734;
	vm0 =	vmand vm5, vm12;
	[tilespmem:v9+s2+$0x0] =	vst.idx.msk vm6, v1  }
0x47: {  	vm12 =	vcmask $0x3B38;
	[tilespmem:v9+s2+$0x0] =	vst.idx.msk vm7, v1;
	vm7 =	vmand vm5, vm1  }
0x48: {  	vm4 =	vcmask $0x3F3C;
	vm2 =	vmand vm5, vm12;
	[tilespmem:v9+s2+$0x0] =	vst.idx.msk vm8, v1  }
0x49: {  	vm5 =	vmand vm5, vm4;
	[tilespmem:v9+s2+$0x0] =	vst.idx.msk vm9, v1  }
0x4a: {  	[tilespmem:v9+s2+$0x0] =	vst.idx.msk vm10, v1  }
0x4b: {  	[tilespmem:v9+s2+$0x0] =	vst.idx.msk vm11, v1  }
0x4c: {  	[tilespmem:v9+s2+$0x0] =	vst.idx.msk vm0, v1  }
0x4d: {  	[tilespmem:v9+s2+$0x0] =	vst.idx.msk vm7, v1  }
0x4e: {  	[tilespmem:v9+s2+$0x0] =	vst.idx.msk vm2, v1  }
0x4f: {  	[tilespmem:v9+s2+$0x0] =	vst.idx.msk vm5, v1  }
0x50: {  	v9 =	vld [tilespmem:$0x7810]  }
0x51: {  	v10 =	vld [tilespmem:$0x1FFF0];
	_ =	sdelay $0x3  }
0x52: {  	v9 =	vsub.s32 v9, v0  }
0x53: {  	vm1 =	vnez.u8 v10;
	vm5 =	vlt.u32 v9, $0x1388;
	vm11 =	vgt.s32 v9, $0x0  }
0x54: {  	vm0 =	vcmask $0x704;
	v9 =	vnsel vm11, $0x0, v9;
	vm6 =	vmand vm5, vm1  }
0x55: {  	vm7 =	vmand vm5, vm0;
	v9 =	vmin.u32 v9, $0x1387  }
0x56: {  	vm2 =	vcmask $0xB08  }
0x57: {  	vm3 =	vcmask $0xF0C;
	vm8 =	vmand vm5, vm2  }
0x58: {  	vm4 =	vcmask $0x1310;
	vm9 =	vmand vm5, vm3  }
0x59: {  	vm10 =	vmand vm5, vm4  }
0x5a: {  	vm11 =	vmand vm5, vm13;
	[tilespmem:v9+s2+$0x0] =	vst.idx.msk vm6, v2  }
0x5b: {  	vm6 =	vmand vm5, vm14;
	[tilespmem:v9+s2+$0x0] =	vst.idx.msk vm7, v2;
	vm7 =	vcmask $0x1F1C  }
0x5c: {  	vm7 =	vmand vm5, vm7  }
0x5d: {  	[tilespmem:v9+s2+$0x0] =	vst.idx.msk vm8, v2;
	vm8 =	vmand vm5, vm15;
	vm15 =	vcmask $0x2724  }
0x5e: {  	[tilespmem:v9+s2+$0x0] =	vst.idx.msk vm9, v2;
	vm9 =	vmand vm5, vm15;
	vm15 =	vcmask $0x2B28  }
0x5f: {  	[tilespmem:v9+s2+$0x0] =	vst.idx.msk vm10, v2;
	vm10 =	vmand vm5, vm15;
	vm15 =	vcmask $0x2F2C  }
0x60: {  	[tilespmem:v9+s2+$0x0] =	vst.idx.msk vm11, v2;
	vm11 =	vmand vm5, vm15;
	vm15 =	vcmask $0x3330  }
0x61: {  	[tilespmem:v9+s2+$0x0] =	vst.idx.msk vm6, v2;
	vm6 =	vmand vm5, vm15;
	vm15 =	vcmask $0x3734  }
0x62: {  	[tilespmem:v9+s2+$0x0] =	vst.idx.msk vm7, v2;
	vm7 =	vmand vm5, vm15  }
0x63: {  	vm15 =	vcmask $0x3F3C;
	[tilespmem:v9+s2+$0x0] =	vst.idx.msk vm8, v2;
	vm8 =	vmand vm5, vm12  }
0x64: {  	vm5 =	vmand vm5, vm15;
	[tilespmem:v9+s2+$0x0] =	vst.idx.msk vm9, v2  }
0x65: {  	[tilespmem:v9+s2+$0x0] =	vst.idx.msk vm10, v2  }
0x66: {  	[tilespmem:v9+s2+$0x0] =	vst.idx.msk vm11, v2  }
0x67: {  	[tilespmem:v9+s2+$0x0] =	vst.idx.msk vm6, v2  }
0x68: {  	[tilespmem:v9+s2+$0x0] =	vst.idx.msk vm7, v2  }
0x69: {  	[tilespmem:v9+s2+$0x0] =	vst.idx.msk vm8, v2  }
0x6a: {  	[tilespmem:v9+s2+$0x0] =	vst.idx.msk vm5, v2  }
0x6b: {  	v9 =	vld [tilespmem:$0x7820];
	_ =	sdelay $0x4  }
0x6c: {  	v9 =	vsub.s32 v9, v0  }
0x6d: {  	vm5 =	vlt.u32 v9, $0x1388;
	vm11 =	vgt.s32 v9, $0x0  }
0x6e: {  	v9 =	vnsel vm11, $0x0, v9;
	vm12 =	vmand vm5, vm1  }
0x6f: {  	vm0 =	vmand vm5, vm0;
	v9 =	vmin.u32 v9, $0x1387  }
0x70: {  	vm2 =	vmand vm5, vm2  }
0x71: {  	vm9 =	vmand vm5, vm3  }
0x72: {  	vm10 =	vmand vm5, vm4  }
0x73: {  	vm11 =	vmand vm5, vm13  }
0x74: {  	vm6 =	vmand vm5, vm14;
	[tilespmem:v9+s2+$0x0] =	vst.idx.msk vm12, v3;
	vm12 =	vcmask $0x1F1C  }
0x75: {  	vm8 =	vcmask $0x2320;
	[tilespmem:v9+s2+$0x0] =	vst.idx.msk vm0, v3;
	vm7 =	vmand vm5, vm12  }
0x76: {  	vm8 =	vmand vm5, vm8;
	vm4 =	vcmask $0x2724;
	[tilespmem:v9+s2+$0x0] =	vst.idx.msk vm2, v3  }
0x77: {  	vm13 =	vcmask $0x2B28;
	[tilespmem:v9+s2+$0x0] =	vst.idx.msk vm9, v3;
	vm9 =	vmand vm5, vm4  }
0x78: {  	vm2 =	vcmask $0x2F2C;
	[tilespmem:v9+s2+$0x0] =	vst.idx.msk vm10, v3;
	vm10 =	vmand vm5, vm13  }
0x79: {  	vm14 =	vcmask $0x3330;
	[tilespmem:v9+s2+$0x0] =	vst.idx.msk vm11, v3;
	vm11 =	vmand vm5, vm2  }
0x7a: {  	vm13 =	vcmask $0x3734;
	[tilespmem:v9+s2+$0x0] =	vst.idx.msk vm6, v3;
	vm6 =	vmand vm5, vm14  }
0x7b: {  	vm14 =	vcmask $0x3B38;
	[tilespmem:v9+s2+$0x0] =	vst.idx.msk vm7, v3;
	vm7 =	vmand vm5, vm13  }
0x7c: {  	vm0 =	vmand vm5, vm14;
	[tilespmem:v9+s2+$0x0] =	vst.idx.msk vm8, v3  }
0x7d: {  	vm5 =	vmand vm5, vm15;
	[tilespmem:v9+s2+$0x0] =	vst.idx.msk vm9, v3  }
0x7e: {  	[tilespmem:v9+s2+$0x0] =	vst.idx.msk vm10, v3  }
0x7f: {  	[tilespmem:v9+s2+$0x0] =	vst.idx.msk vm11, v3  }
0x80: {  	[tilespmem:v9+s2+$0x0] =	vst.idx.msk vm6, v3  }
0x81: {  	[tilespmem:v9+s2+$0x0] =	vst.idx.msk vm7, v3  }
0x82: {  	[tilespmem:v9+s2+$0x0] =	vst.idx.msk vm0, v3  }
0x83: {  	[tilespmem:v9+s2+$0x0] =	vst.idx.msk vm5, v3  }
0x84: {  	v9 =	vld [tilespmem:$0x7830];
	_ =	sdelay $0x4  }
0x85: {  	v9 =	vsub.s32 v9, v0  }
0x86: {  	vm5 =	vlt.u32 v9, $0x1388;
	vm3 =	vgt.s32 v9, $0x0  }
0x87: {  	v9 =	vnsel vm3, $0x0, v9;
	vm6 =	vmand vm5, vm1  }
0x88: {  	vm8 =	vcmask $0x704;
	v9 =	vmin.u32 v9, $0x1387  }
0x89: {  	vm9 =	vcmask $0xB08;
	vm7 =	vmand vm5, vm8  }
0x8a: {  	vm10 =	vcmask $0xF0C;
	vm8 =	vmand vm5, vm9  }
0x8b: {  	vm9 =	vmand vm5, vm10;
	vm3 =	vcmask $0x1310  }
0x8c: {  	vm11 =	vcmask $0x1714;
	vm10 =	vmand vm5, vm3  }
0x8d: {  	vm11 =	vmand vm5, vm11;
	[tilespmem:v9+s2+$0x0] =	vst.idx.msk vm6, v4;
	vm6 =	vcmask $0x1B18  }
0x8e: {  	vm6 =	vmand vm5, vm6  }
0x8f: {  	[tilespmem:v9+s2+$0x0] =	vst.idx.msk vm7, v4  }
0x90: {  	vm7 =	vmand vm5, vm12;
	vm12 =	vcmask $0x2320;
	[tilespmem:v9+s2+$0x0] =	vst.idx.msk vm8, v4  }
0x91: {  	vm8 =	vmand vm5, vm12;
	[tilespmem:v9+s2+$0x0] =	vst.idx.msk vm9, v4  }
0x92: {  	vm12 =	vcmask $0x2B28;
	vm9 =	vmand vm5, vm4;
	[tilespmem:v9+s2+$0x0] =	vst.idx.msk vm10, v4  }
0x93: {  	vm10 =	vmand vm5, vm12;
	[tilespmem:v9+s2+$0x0] =	vst.idx.msk vm11, v4  }
0x94: {  	vm11 =	vmand vm5, vm2;
	[tilespmem:v9+s2+$0x0] =	vst.idx.msk vm6, v4;
	vm6 =	vcmask $0x3330  }
0x95: {  	vm6 =	vmand vm5, vm6  }
0x96: {  	vm2 =	vmand vm5, vm13;
	[tilespmem:v9+s2+$0x0] =	vst.idx.msk vm7, v4  }
0x97: {  	vm0 =	vmand vm5, vm14;
	[tilespmem:v9+s2+$0x0] =	vst.idx.msk vm8, v4  }
0x98: {  	vm5 =	vmand vm5, vm15;
	[tilespmem:v9+s2+$0x0] =	vst.idx.msk vm9, v4  }
0x99: {  	[tilespmem:v9+s2+$0x0] =	vst.idx.msk vm10, v4  }
0x9a: {  	[tilespmem:v9+s2+$0x0] =	vst.idx.msk vm11, v4  }
0x9b: {  	[tilespmem:v9+s2+$0x0] =	vst.idx.msk vm6, v4  }
0x9c: {  	[tilespmem:v9+s2+$0x0] =	vst.idx.msk vm2, v4  }
0x9d: {  	[tilespmem:v9+s2+$0x0] =	vst.idx.msk vm0, v4  }
0x9e: {  	[tilespmem:v9+s2+$0x0] =	vst.idx.msk vm5, v4  }
0x9f: {  	v9 =	vld [tilespmem:$0x7840];
	_ =	sdelay $0x4  }
0xa0: {  	v9 =	vsub.s32 v9, v0  }
0xa1: {  	vm5 =	vlt.u32 v9, $0x1388;
	vm2 =	vgt.s32 v9, $0x0  }
0xa2: {  	v9 =	vnsel vm2, $0x0, v9;
	vm6 =	vmand vm5, vm1  }
0xa3: {  	vm8 =	vcmask $0x704;
	v9 =	vmin.u32 v9, $0x1387  }
0xa4: {  	vm9 =	vcmask $0xB08;
	vm7 =	vmand vm5, vm8  }
0xa5: {  	vm10 =	vcmask $0xF0C;
	vm8 =	vmand vm5, vm9  }
0xa6: {  	vm9 =	vmand vm5, vm10  }
0xa7: {  	vm11 =	vcmask $0x1714;
	vm10 =	vmand vm5, vm3  }
0xa8: {  	vm11 =	vmand vm5, vm11;
	[tilespmem:v9+s2+$0x0] =	vst.idx.msk vm6, v5;
	vm6 =	vcmask $0x1B18  }
0xa9: {  	vm6 =	vmand vm5, vm6  }
0xaa: {  	[tilespmem:v9+s2+$0x0] =	vst.idx.msk vm7, v5;
	vm7 =	vcmask $0x1F1C  }
0xab: {  	vm7 =	vmand vm5, vm7;
	[tilespmem:v9+s2+$0x0] =	vst.idx.msk vm8, v5;
	vm8 =	vcmask $0x2320  }
0xac: {  	vm8 =	vmand vm5, vm8;
	[tilespmem:v9+s2+$0x0] =	vst.idx.msk vm9, v5  }
0xad: {  	vm9 =	vmand vm5, vm4;
	[tilespmem:v9+s2+$0x0] =	vst.idx.msk vm10, v5  }
0xae: {  	vm10 =	vmand vm5, vm12;
	[tilespmem:v9+s2+$0x0] =	vst.idx.msk vm11, v5;
	vm11 =	vcmask $0x2F2C  }
0xaf: {  	vm11 =	vmand vm5, vm11;
	[tilespmem:v9+s2+$0x0] =	vst.idx.msk vm6, v5;
	vm6 =	vcmask $0x3330  }
0xb0: {  	vm6 =	vmand vm5, vm6  }
0xb1: {  	vm0 =	vmand vm5, vm13;
	[tilespmem:v9+s2+$0x0] =	vst.idx.msk vm7, v5  }
0xb2: {  	vm2 =	vmand vm5, vm14;
	[tilespmem:v9+s2+$0x0] =	vst.idx.msk vm8, v5  }
0xb3: {  	vm5 =	vmand vm5, vm15;
	[tilespmem:v9+s2+$0x0] =	vst.idx.msk vm9, v5  }
0xb4: {  	[tilespmem:v9+s2+$0x0] =	vst.idx.msk vm10, v5  }
0xb5: {  	[tilespmem:v9+s2+$0x0] =	vst.idx.msk vm11, v5  }
0xb6: {  	[tilespmem:v9+s2+$0x0] =	vst.idx.msk vm6, v5  }
0xb7: {  	[tilespmem:v9+s2+$0x0] =	vst.idx.msk vm0, v5  }
0xb8: {  	[tilespmem:v9+s2+$0x0] =	vst.idx.msk vm2, v5  }
0xb9: {  	[tilespmem:v9+s2+$0x0] =	vst.idx.msk vm5, v5  }
0xba: {  	v9 =	vld [tilespmem:$0x7850];
	_ =	sdelay $0x4  }
0xbb: {  	v9 =	vsub.s32 v9, v0  }
0xbc: {  	vm3 =	vcmask $0x704;
	vm5 =	vlt.u32 v9, $0x1388;
	vm10 =	vgt.s32 v9, $0x0  }
0xbd: {  	vm0 =	vmmov vm1;
	v9 =	vnsel vm10, $0x0, v9;
	vm6 =	vmand vm5, vm1  }
0xbe: {  	vm7 =	vmand vm5, vm3;
	vm1 =	vcmask $0xB08;
	v9 =	vmin.u32 v9, $0x1387  }
0xbf: {  	vm2 =	vcmask $0xF0C;
	vm8 =	vmand vm5, vm1  }
0xc0: {  	vm9 =	vmand vm5, vm2;
	vm10 =	vcmask $0x1310  }
0xc1: {  	vm11 =	vcmask $0x1714;
	vm10 =	vmand vm5, vm10  }
0xc2: {  	vm11 =	vmand vm5, vm11  }
0xc3: {  	[tilespmem:v9+s2+$0x0] =	vst.idx.msk vm6, v6;
	vm6 =	vcmask $0x1B18  }
0xc4: {  	vm6 =	vmand vm5, vm6;
	[tilespmem:v9+s2+$0x0] =	vst.idx.msk vm7, v6;
	vm7 =	vcmask $0x1F1C  }
0xc5: {  	vm7 =	vmand vm5, vm7;
	[tilespmem:v9+s2+$0x0] =	vst.idx.msk vm8, v6;
	vm8 =	vcmask $0x2320  }
0xc6: {  	vm8 =	vmand vm5, vm8;
	[tilespmem:v9+s2+$0x0] =	vst.idx.msk vm9, v6  }
0xc7: {  	vm9 =	vmand vm5, vm4;
	[tilespmem:v9+s2+$0x0] =	vst.idx.msk vm10, v6  }
0xc8: {  	vm10 =	vmand vm5, vm12;
	[tilespmem:v9+s2+$0x0] =	vst.idx.msk vm11, v6;
	vm11 =	vcmask $0x2F2C  }
0xc9: {  	vm12 =	vcmask $0x3330;
	vm11 =	vmand vm5, vm11  }
0xca: {  	[tilespmem:v9+s2+$0x0] =	vst.idx.msk vm6, v6;
	vm6 =	vmand vm5, vm12  }
0xcb: {  	vm13 =	vmand vm5, vm13;
	[tilespmem:v9+s2+$0x0] =	vst.idx.msk vm7, v6  }
0xcc: {  	vm12 =	vmand vm5, vm14;
	[tilespmem:v9+s2+$0x0] =	vst.idx.msk vm8, v6  }
0xcd: {  	vm5 =	vmand vm5, vm15;
	[tilespmem:v9+s2+$0x0] =	vst.idx.msk vm9, v6  }
0xce: {  	[tilespmem:v9+s2+$0x0] =	vst.idx.msk vm10, v6  }
0xcf: {  	[tilespmem:v9+s2+$0x0] =	vst.idx.msk vm11, v6  }
0xd0: {  	[tilespmem:v9+s2+$0x0] =	vst.idx.msk vm6, v6  }
0xd1: {  	[tilespmem:v9+s2+$0x0] =	vst.idx.msk vm13, v6  }
0xd2: {  	[tilespmem:v9+s2+$0x0] =	vst.idx.msk vm12, v6  }
0xd3: {  	[tilespmem:v9+s2+$0x0] =	vst.idx.msk vm5, v6  }
0xd4: {  	v9 =	vld [tilespmem:$0x7860];
	_ =	sdelay $0x4  }
0xd5: {  	v9 =	vsub.s32 v9, v0  }
0xd6: {  	vm5 =	vlt.u32 v9, $0x1388;
	vm13 =	vgt.s32 v9, $0x0  }
0xd7: {  	v9 =	vnsel vm13, $0x0, v9;
	vm14 =	vmand vm5, vm0  }
0xd8: {  	vm15 =	vmand vm5, vm3;
	v9 =	vmin.u32 v9, $0x1387  }
0xd9: {  	vm12 =	vmand vm5, vm1  }
0xda: {  	vm5 =	vmand vm5, vm2  }
0xdb: {  	vm0 =	vmxor vm0, vm0;
	_ =	sdelay $0x1  }
0xdc: {  	[tilespmem:v9+s2+$0x0] =	vst.idx.msk vm14, v7  }
0xdd: {  	[tilespmem:v9+s2+$0x0] =	vst.idx.msk vm15, v7  }
0xde: {  	[tilespmem:v9+s2+$0x0] =	vst.idx.msk vm12, v7  }
0xdf: {  	[tilespmem:v9+s2+$0x0] =	vst.idx.msk vm5, v7  }
0xe0: {  	[tilespmem:v9+s2+$0x0] =	vst.idx.msk vm0, v7  }
0xe1: {  	[tilespmem:v9+s2+$0x0] =	vst.idx.msk vm0, v7  }
0xe2: {  	[tilespmem:v9+s2+$0x0] =	vst.idx.msk vm0, v7  }
0xe3: {  	[tilespmem:v9+s2+$0x0] =	vst.idx.msk vm0, v7  }
0xe4: {  	[tilespmem:v9+s2+$0x0] =	vst.idx.msk vm0, v7  }
0xe5: {  	[tilespmem:v9+s2+$0x0] =	vst.idx.msk vm0, v7  }
0xe6: {  	[tilespmem:v9+s2+$0x0] =	vst.idx.msk vm0, v7  }
0xe7: {  	[tilespmem:v9+s2+$0x0] =	vst.idx.msk vm0, v7  }
0xe8: {  	[tilespmem:v9+s2+$0x0] =	vst.idx.msk vm0, v7  }
0xe9: {  	[tilespmem:v9+s2+$0x0] =	vst.idx.msk vm0, v7  }
0xea: {  	[tilespmem:v9+s2+$0x0] =	vst.idx.msk vm0, v7  }
0xeb: {  	s1 =	simm.s32 $0x0;
	[tilespmem:v9+s2+$0x0] =	vst.idx.msk vm0, v7  }
0xec: {  	v9 =	vld [tilespmem:s1+$0x0];
	_ =	sdelay $0x4  }
0xed: {  	v10 =	vand.u32 $0xFFFF, v9  }
0xee: {  	v11 =	vld [tilespmem:s1+$0x5000];
	v10 =	vmin.u32 v10, $0x6F  }
0xef: {  	v13 =	vld [tilespmem:s1+$0x6400];
	v12 =	vshll.u32 v10, $0x2  }
0xf0: {  	v14 =	vor.u32 $0x2, v12  }
0xf1: {  	v15 =	vor.u32 $0x3, v12  }
0xf2: {  	v16 =	vor.u32 $0x1, v12  }
0xf3: {  	(erf) = vrcp.f32 v11  }
0xf4: {  	(erf) = vrcp.f32 v13;
	v12 =	vld.idx.msk [tilespmem:v12+s23+$0x0], $0xffff  }
0xf5: {  	v11 =	vld.idx.msk [tilespmem:v14+s23+$0x0], $0xffff  }
0xf6: {  	v13 =	vld.idx.msk [tilespmem:v15+s23+$0x0], $0xffff  }
0xf7: {  	v14 =	vld.idx.msk [tilespmem:v16+s23+$0x0], $0xffff;
	_ =	sdelay $0x3  }
0xf8: {  	v15 =	vsub.f32 v11, v12  }
0xf9: {  	v16 =	vpop (erf);
	v17 =	vsub.f32 v13, v14  }
0xfa: {  	v18 =	vpop (erf);
	v15 =	vmul.f32 v16, v15  }
0xfb: {  	v17 =	vmul.f32 v18, v17  }
0xfc: {  	v19 =	vand.u32 $0x7FFFFF, v15  }
0xfd: {  	v20 =	vand.u32 $0x7FFFFF, v17;
	v19 =	vor.u32 $0x3F800000, v19  }
0xfe: {  	v20 =	vor.u32 $0x3F800000, v20;
	v21 =	vmul.f32 $5.000000000e-01, v19  }
0xff: {  	vm13 =	vgt.f32 v19, $1.414213540e+00;
	v22 =	vmul.f32 $5.000000000e-01, v20  }
0x100: {  	vm14 =	vgt.f32 v20, $1.414213540e+00;
	v19 =	vsel vm13, v21, v19  }
0x101: {  	v20 =	vsel vm14, v22, v20;
	v21 =	vadd.f32 $1.000000000e+00, v19  }
0x102: {  	v22 =	vadd.f32 $1.000000000e+00, v20  }
0x103: {  	(erf) = vrcp.f32 v21  }
0x104: {  	(erf) = vrcp.f32 v22;
	_ =	sdelay $0x2  }
0x105: {  	v13 =	vadd.f32 v13, v14;
	v14 =	vld [tilespmem:s1+$0x2800]  }
0x106: {  	v63 =	vld [tilespmem:s1+$0x3C00];
	v11 =	vadd.f32 v11, v12;
	_ =	sdelay $0x1  }
0x107: {  	v11 =	vmul.f32 $5.000000000e-01, v11  }
0x108: {  	v10 =	vld.idx.msk [tilespmem:v10+s24+$0x0], $0xffff;
	v12 =	vmul.f32 $5.000000000e-01, v13;
	v13 =	vadd.f32 $-1.000000000e+00, v19  }
0x109: {  	v11 =	vsub.f32 v11, v14;
	v19 =	vadd.f32 $-1.000000000e+00, v20;
	v14 =	vpop (erf)  }
0x10a: {  	v12 =	vsub.f32 v12, v63;
	v13 =	vmul.f32 v14, v13;
	v14 =	vpop (erf)  }
0x10b: {  	v11 =	vmul.f32 v16, v11;
	v14 =	vmul.f32 v14, v19  }
0x10c: {  	vm15 =	vlt.u32 v9, $0x10000;
	v12 =	vmul.f32 v18, v12;
	v16 =	vmul.f32 v13, v13  }
0x10d: {  	v10 =	vnsel vm15, $0x0, v10;
	v11 =	vmul.f32 $1.000000000e+01, v11;
	v18 =	vmul.f32 v14, v14  }
0x10e: {  	[tilespmem:s1+$0x1400] =	vst v10;
	v12 =	vmul.f32 $1.000000000e+01, v12;
	v9 =	vmul.f32 $4.000000060e-01, v16  }
0x10f: {  	[tilespmem:s1+$0x7B00] =	vst v11;
	v11 =	vmul.f32 $4.000000060e-01, v18  }
0x110: {  	s0 =	simm.s32 $0x10;
	[tilespmem:s1+$0x8F00] =	vst v12;
	v12 =	vshra.s32 v15, $0x17;
	v10 =	vadd.f32 $6.666666860e-01, v9  }
0x111: {  	v15 =	vshra.s32 v17, $0x17;
	v12 =	vadd.s32 $0xFFFFFF81, v12;
	v9 =	vld [tilespmem:s0+$0x0];
	v11 =	vadd.f32 $6.666666860e-01, v11  }
0x112: {  	v15 =	vadd.s32 $0xFFFFFF81, v15;
	v12 =	vcvt.s32.f32 v12;
	v10 =	vmul.f32 v10, v16  }
0x113: {  	v15 =	vcvt.s32.f32 v15;
	v16 =	vsel vm13, $0x3F800000, v8;
	v11 =	vmul.f32 v11, v18  }
0x114: {  	v17 =	vsel vm14, $0x3F800000, v8;
	v12 =	vadd.f32 v12, v16;
	v10 =	vadd.f32 $2.000000000e+00, v10  }
0x115: {  	v15 =	vadd.f32 v15, v17;
	v11 =	vadd.f32 $2.000000000e+00, v11  }
0x116: {  	v16 =	vmul.f32 $6.931471820e-01, v12;
	v13 =	vmul.f32 v10, v13;
	v10 =	vand.u32 $0xFFFF, v9  }
0x117: {  	v17 =	vmul.f32 $6.931471820e-01, v15;
	v10 =	vmin.u32 v10, $0x6F;
	v18 =	vmul.f32 v11, v14  }
0x118: {  	v12 =	vld [tilespmem:s0+$0x5000];
	v16 =	vadd.f32 v13, v16;
	v14 =	vshll.u32 v10, $0x2  }
0x119: {  	s18 =	simm.s32 $0x80;
	v11 =	vld [tilespmem:s0+$0x6400];
	v13 =	vor.u32 $0x1, v14;
	v15 =	vor.u32 $0x2, v14;
	v17 =	vadd.f32 v18, v17  }
.LBB2_2:
0x11a: {  	p0 =	sne.s32 s18, $0x4E00;
	v18 =	vor.u32 $0x3, v14;
	v16 =	vmul.f32 $5.000000000e+00, v16;
	s19 =	smov.u32 s18;
	s18 =	sadd.s32 $0x40, s18  }
0x11b: {  	v17 =	vmul.f32 $5.000000000e+00, v17  }
0x11c: {  	[tilespmem:s1+$0xA300] =	vst v16  }
0x11d: {  	(erf) = vrcp.f32 v12;
	[tilespmem:s1+$0xB700] =	vst v17;
	s1 =	smov.u32 s0  }
0x11e: {  	v12 =	vld.idx.msk [tilespmem:v15+s23+$0x0], $0xffff  }
0x11f: {  	v14 =	vld.idx.msk [tilespmem:v14+s23+$0x0], $0xffff;
	(erf) = vrcp.f32 v11  }
0x120: {  	v11 =	vld.idx.msk [tilespmem:v18+s23+$0x0], $0xffff  }
0x121: {  	v13 =	vld.idx.msk [tilespmem:v13+s23+$0x0], $0xffff;
	_ =	sdelay $0x3  }
0x122: {  	v17 =	vadd.f32 v12, v14;
	v12 =	vsub.f32 v12, v14  }
0x123: {  	v14 =	vpop (erf)  }
0x124: {  	v16 =	vadd.f32 v11, v13;
	v11 =	vsub.f32 v11, v13;
	v12 =	vmul.f32 v14, v12  }
0x125: {  	v13 =	vmul.f32 $5.000000000e-01, v17;
	v15 =	vpop (erf)  }
0x126: {  	v17 =	vshra.s32 v12, $0x17;
	v12 =	vand.u32 $0x7FFFFF, v12;
	v11 =	vmul.f32 v15, v11  }
0x127: {  	v16 =	vmul.f32 $5.000000000e-01, v16;
	v18 =	vld [tilespmem:s1+$0x3C00];
	v17 =	vadd.s32 $0xFFFFFF81, v17;
	v12 =	vor.u32 $0x3F800000, v12  }
0x128: {  	v19 =	vmul.f32 $5.000000000e-01, v12;
	v20 =	vshra.s32 v11, $0x17;
	v11 =	vand.u32 $0x7FFFFF, v11  }
0x129: {  	vm5 =	vgt.f32 v12, $1.414213540e+00;
	v21 =	vld [tilespmem:s1+$0x2800];
	v20 =	vadd.s32 $0xFFFFFF81, v20;
	v11 =	vor.u32 $0x3F800000, v11  }
0x12a: {  	v12 =	vsel vm5, v19, v12;
	v19 =	vsel vm5, $0x3F800000, v8;
	v22 =	vmul.f32 $5.000000000e-01, v11  }
0x12b: {  	vm5 =	vgt.f32 v11, $1.414213540e+00;
	v20 =	vcvt.s32.f32 v20;
	v23 =	vadd.f32 $1.000000000e+00, v12  }
0x12c: {  	v16 =	vsub.f32 v16, v18;
	v11 =	vsel vm5, v22, v11;
	v18 =	vsel vm5, $0x3F800000, v8  }
0x12d: {  	v18 =	vadd.f32 v20, v18;
	v20 =	vadd.f32 $1.000000000e+00, v11;
	(erf) = vrcp.f32 v23  }
0x12e: {  	v13 =	vsub.f32 v13, v21;
	v15 =	vmul.f32 v15, v16  }
0x12f: {  	(erf) = vrcp.f32 v20  }
0x130: {  	v13 =	vmul.f32 v14, v13;
	v14 =	vmul.f32 $1.000000000e+01, v15  }
0x131: {  	v10 =	vld.idx.msk [tilespmem:v10+s24+$0x0], $0xffff  }
0x132: {  	v13 =	vmul.f32 $1.000000000e+01, v13;
	[tilespmem:s1+$0x8F00] =	vst v14;
	_ =	sdelay $0x1  }
0x133: {  	[tilespmem:s1+$0x7B00] =	vst v13  }
0x134: {  	v12 =	vadd.f32 $-1.000000000e+00, v12  }
0x135: {  	vm5 =	vlt.u32 v9, $0x10000;
	v9 =	vpop (erf)  }
0x136: {  	v13 =	vmul.f32 v9, v12;
	v9 =	vadd.f32 $-1.000000000e+00, v11;
	v11 =	vnsel vm5, $0x0, v10  }
0x137: {  	[tilespmem:s1+$0x1400] =	vst v11;
	v10 =	vpop (erf)  }
0x138: {  	v11 =	vmul.f32 v13, v13;
	v14 =	vmul.f32 v10, v9;
	_ =	sdelay $0x1  }
0x139: {  	v9 =	vmul.f32 $4.000000060e-01, v11;
	v10 =	vmul.f32 v14, v14;
	_ =	sdelay $0x1  }
0x13a: {  	v12 =	vadd.f32 $6.666666860e-01, v9;
	v15 =	vmul.f32 $4.000000060e-01, v10  }
0x13b: {  	s0 =	sshra.s32 s19, $0x2  }
0x13c: {  	v16 =	vcvt.s32.f32 v17;
	v9 =	vld [tilespmem:s0+$0x0];
	v17 =	vmul.f32 v12, v11;
	v15 =	vadd.f32 $6.666666860e-01, v15  }
0x13d: {  	v12 =	vld [tilespmem:s0+$0x5000]  }
0x13e: {  	v16 =	vadd.f32 v16, v19;
	v11 =	vld [tilespmem:s0+$0x6400];
	v17 =	vadd.f32 $2.000000000e+00, v17;
	v10 =	vmul.f32 v15, v10;
	_ =	sdelay $0x1  }
.Ltmp0:
0x13f: {  	v15 =	vmul.f32 $6.931471820e-01, v16;
	v13 =	vmul.f32 v17, v13;
	v17 =	vadd.f32 $2.000000000e+00, v10;
	(pc) =	sbr.rel @p0 .LBB2_2-.Ltmp0, $4  }
0x140: {  	v18 =	vmul.f32 $6.931471820e-01, v18;
	v10 =	vand.u32 $0xFFFF, v9  }
0x141: {  	v10 =	vmin.u32 v10, $0x6F;
	v16 =	vadd.f32 v13, v15;
	v17 =	vmul.f32 v17, v14  }
0x142: {  	v14 =	vshll.u32 v10, $0x2  }
0x143: {  	v13 =	vor.u32 $0x1, v14;
	v15 =	vor.u32 $0x2, v14;
	v17 =	vadd.f32 v17, v18  }
0x144: {  	v16 =	vmul.f32 $5.000000000e+00, v16  }
0x145: {  	v17 =	vmul.f32 $5.000000000e+00, v17  }
0x146: {  	v18 =	vor.u32 $0x3, v14;
	[tilespmem:s1+$0xA300] =	vst v16  }
0x147: {  	(erf) = vrcp.f32 v12;
	[tilespmem:s1+$0xB700] =	vst v17  }
0x148: {  	(erf) = vrcp.f32 v11;
	v48 =	vld.idx.msk [tilespmem:v15+s23+$0x0], $0xffff  }
0x149: {  	v11 =	vld.idx.msk [tilespmem:v14+s23+$0x0], $0xffff  }
0x14a: {  	v13 =	vld.idx.msk [tilespmem:v13+s23+$0x0], $0xffff  }
0x14b: {  	v49 =	vld.idx.msk [tilespmem:v18+s23+$0x0], $0xffff;
	_ =	sdelay $0x3  }
0x14c: {  	v15 =	vsub.f32 v48, v11  }
0x14d: {  	v50 =	vpop (erf);
	v51 =	vsub.f32 v49, v13  }
0x14e: {  	v52 =	vpop (erf);
	v15 =	vmul.f32 v50, v15  }
0x14f: {  	v17 =	vmul.f32 v52, v51  }
0x150: {  	v19 =	vand.u32 $0x7FFFFF, v15  }
0x151: {  	v19 =	vor.u32 $0x3F800000, v19;
	v20 =	vand.u32 $0x7FFFFF, v17  }
0x152: {  	v21 =	vmul.f32 $5.000000000e-01, v19;
	v20 =	vor.u32 $0x3F800000, v20  }
0x153: {  	vm5 =	vgt.f32 v19, $1.414213540e+00;
	v22 =	vmul.f32 $5.000000000e-01, v20  }
0x154: {  	vm6 =	vgt.f32 v20, $1.414213540e+00;
	v19 =	vsel vm5, v21, v19  }
0x155: {  	v21 =	vadd.f32 $1.000000000e+00, v19;
	v20 =	vsel vm6, v22, v20  }
0x156: {  	v22 =	vadd.f32 $1.000000000e+00, v20  }
0x157: {  	(erf) = vrcp.f32 v21  }
0x158: {  	(erf) = vrcp.f32 v22;
	_ =	sdelay $0x6  }
0x159: {  	v19 =	vadd.f32 $-1.000000000e+00, v19  }
0x15a: {  	v20 =	vadd.f32 $-1.000000000e+00, v20;
	v21 =	vpop (erf)  }
0x15b: {  	v24 =	vld [tilespmem:s0+$0x2800];
	v19 =	vmul.f32 v21, v19;
	v54 =	vpop (erf)  }
0x15c: {  	v11 =	vadd.f32 v48, v11;
	v55 =	vmul.f32 v54, v20  }
0x15d: {  	v53 =	vld [tilespmem:s0+$0x3C00];
	v13 =	vadd.f32 v49, v13;
	v56 =	vmul.f32 v19, v19  }
0x15e: {  	v11 =	vmul.f32 $5.000000000e-01, v11;
	v21 =	vmul.f32 v55, v55  }
0x15f: {  	v13 =	vmul.f32 $5.000000000e-01, v13;
	v25 =	vmul.f32 $4.000000060e-01, v56  }
0x160: {  	v15 =	vshra.s32 v15, $0x17;
	v11 =	vsub.f32 v11, v24;
	v58 =	vmul.f32 $4.000000060e-01, v21  }
0x161: {  	v17 =	vshra.s32 v17, $0x17;
	v15 =	vadd.s32 $0xFFFFFF81, v15;
	v59 =	vadd.f32 $6.666666860e-01, v25  }
0x162: {  	v57 =	vsub.f32 v13, v53;
	v15 =	vcvt.s32.f32 v15;
	v13 =	vadd.f32 $6.666666860e-01, v58  }
0x163: {  	v17 =	vadd.s32 $0xFFFFFF81, v17;
	v11 =	vmul.f32 v50, v11;
	v20 =	vmul.f32 v59, v56  }
0x164: {  	v10 =	vld.idx.msk [tilespmem:v10+s24+$0x0], $0xffff;
	v17 =	vcvt.s32.f32 v17;
	v60 =	vsel vm5, $0x3F800000, v8;
	v13 =	vmul.f32 v13, v21  }
0x165: {  	v23 =	vsel vm6, $0x3F800000, v8;
	v15 =	vadd.f32 v15, v60;
	v61 =	vadd.f32 $2.000000000e+00, v20  }
0x166: {  	v12 =	vmul.f32 v52, v57;
	v17 =	vadd.f32 v17, v23;
	v13 =	vadd.f32 $2.000000000e+00, v13  }
0x167: {  	v15 =	vmul.f32 $6.931471820e-01, v15;
	v62 =	vmul.f32 v61, v19  }
0x168: {  	vm15 =	vlt.u32 v9, $0x10000;
	v17 =	vmul.f32 $6.931471820e-01, v17;
	v13 =	vmul.f32 v13, v55  }
0x169: {  	v10 =	vnsel vm15, $0x0, v10;
	v11 =	vmul.f32 $1.000000000e+01, v11;
	v63 =	vadd.f32 v62, v15  }
0x16a: {  	[tilespmem:s0+$0x1400] =	vst v10;
	v12 =	vmul.f32 $1.000000000e+01, v12;
	v9 =	vadd.f32 v13, v17  }
0x16b: {  	[tilespmem:s0+$0x7B00] =	vst v11;
	v11 =	vmul.f32 $5.000000000e+00, v63  }
0x16c: {  	[tilespmem:s0+$0x8F00] =	vst v12;
	v9 =	vmul.f32 $5.000000000e+00, v9  }
0x16d: {  	[tilespmem:s0+$0xA300] =	vst v11  }
0x16e: {  	[tilespmem:s0+$0xB700] =	vst v9  }
0x16f: {  	[hbm4b:s11+s2] =	stream.linear.scatter [tilespmem:s25], [sflag:$0x1], $0x1388, $0x38;
	[tilespmem:$0xCB00] =	vst v63  }
0x170: {  	_ =	swait.ge [sflag:s17], $0x1388  }
0x171: {  	[sflag:s17] =	ssyncset.done $0x0  }
0x172: {  	[sflag:s17] =	ssyncadd.s32 $0xFFFFEC78  }
0x173: {  	[hbm4b:s12+s2] =	stream.linear.scatter [tilespmem:s26], [sflag:$0x1], $0x1388, $0x38;
	[tilespmem:$0xCB00] =	vst v63  }
0x174: {  	_ =	swait.ge [sflag:s17], $0x1388  }
0x175: {  	[sflag:s17] =	ssyncset.done $0x0  }
0x176: {  	[sflag:s17] =	ssyncadd.s32 $0xFFFFEC78  }
0x177: {  	[hbm4b:s13+s2] =	stream.linear.scatter [tilespmem:s28], [sflag:$0x1], $0x1388, $0x38;
	[tilespmem:$0xCB00] =	vst v63  }
0x178: {  	_ =	swait.ge [sflag:s17], $0x1388  }
0x179: {  	[sflag:s17] =	ssyncset.done $0x0  }
0x17a: {  	[sflag:s17] =	ssyncadd.s32 $0xFFFFEC78  }
0x17b: {  	[hbm4b:s14+s2] =	stream.linear.scatter [tilespmem:s29], [sflag:$0x1], $0x1388, $0x38;
	[tilespmem:$0xCB00] =	vst v63  }
0x17c: {  	s31 =	sadd.s32 $0x1, s31;
	_ =	swait.ge [sflag:s17], $0x1388  }
0x17d: {  	p0 =	sne.s32 s31, s16;
	[sflag:s17] =	ssyncset.done $0x0  }
.Ltmp1:
0x17e: {  	[sflag:s17] =	ssyncadd.s32 $0xFFFFEC78;
	(pc) =	sbr.rel @p0 .LBB2_1-.Ltmp1, $4  }
0x17f: {  	[hbm4b:s15+s2] =	stream.linear.scatter [tilespmem:s30], [sflag:$0x1], $0x1388, $0x38;
	[tilespmem:$0xCB00] =	vst v63  }
0x180: {  	_ =	swait.ge [sflag:s17], $0x1388  }
0x181: {  	[sflag:s17] =	ssyncset.done $0x0  }
0x182: {  	[sflag:s17] =	ssyncadd.s32 $0xFFFFEC78  }
0x183: {  	_ =	sfence.sel $0x180000  }
0x184: {  	[bflag:$0x0] =	sbarrier.arrive $0xFFFF  }
0x185: {  	_ =	strace $0x90000047  }
0x186: {  	s0 =	stileid.u32;
	[bflag:$0x2] =	sbarrier.arrive $0xFFFF  }
0x187: {  	p0 =	sne.s32 s0, $0x0;
	s0 =	rddreg [dreg:$0x3]  }
0x188: {  	s0 =	sadd.s32 @!p0 $0x100000, s0  }
0x189: {  	[sflag:s0] =	ssyncadd.tile.s32 @!p0 $0x1;
	_ =	shalt  }
.Lfunc_end2:
_tile_overlayer_lowered:
.L_overlay_start_2:
0x18a: {  	(tag) =	ssettag $0x2  }
0x18b: {  	s0 =	rddreg [dreg:$0x0];
	s2 =	stileid.u32  }
0x18c: {  	s1 =	rddreg [dreg:$0x1];
	p0 =	sne.s32 s2, $0x0  }
0x18d: {  	s3 =	rddreg [dreg:$0x2];
	[bflag:$0x3] =	sbarrier.arrive $0xFFFF;
	s2 =	simm.s32 @!p0 $0x1C01  }
0x18e: {  	[timem:s3], [sflag:s2] =	dma.local @!p0 [hbm:s0], s1  }
0x18f: {  	s0 =	simm.s32 @!p0 $0x1  }
0x190: {  	_ =	swait.ge @!p0 [sflag:s0], s1  }
0x191: {  	s1 =	ssub.s32 @!p0 $0x0, s1;
	[sflag:s0] =	ssyncset.done @!p0 $0x0  }
0x192: {  	[sflag:s0] =	ssyncadd.s32 @!p0 s1  }
0x193: {  	[bflag:$0x3] =	sbarrier.arrive $0xFFFF  }
0x194: {  	_ =	shalt  }

</sc_bundles>
